<compile_context>
chip_gen: v7x
topology: tpu7x:2x2x1
jax: 0.10.2.dev20260603
libtpu: 0.0.44.dev20260713+nightly
codegen_flags: <defaults>
</compile_context>

<pallas_src>
import functools

import jax
import jax.numpy as jnp
from jax import lax
from jax.experimental import pallas as pl
from jax.experimental.pallas import tpu as pltpu
from jax.experimental.pallas import tpu_sc as plsc

B_SZ = 2
L = 4096
BL = B_SZ * L
DIM = 1024
ED = 336
NH = 6
HD = 56
HDP = 64
EDP = NH * HDP
DS = 16
K_CH = 819
K_PAD = 896
ROWS_W = 56
NW = 32

_F32 = jnp.float32



def _front_body(x_ref, winT_ref, bin_ref, wqT_ref, wkT_ref, wvT_ref,
                bq_ref, bk_ref, bv_ref, alpha_ref, nw_ref, nb_ref,
                out_ref, ch2_ref):
    x = x_ref[...]
    xn = jnp.tanh(x * alpha_ref[...]) * nw_ref[...] + nb_ref[...]
    xp = jnp.dot(xn.astype(jnp.bfloat16), winT_ref[...],
                 preferred_element_type=_F32) + bin_ref[...]
    ones8 = jnp.ones((EDP, 8), _F32)
    hrow = lax.broadcasted_iota(jnp.int32, (EDP, 8), 0) // HDP
    hcol = lax.broadcasted_iota(jnp.int32, (EDP, 8), 1)
    S = (hrow == hcol).astype(_F32)
    n2 = jnp.dot(xp * xp, ones8, preferred_element_type=_F32)[:, 0:1]
    xp = xp / jnp.maximum(jnp.sqrt(n2), 1e-12)
    xpb = xp.astype(jnp.bfloat16)
    q = jnp.dot(xpb, wqT_ref[...], preferred_element_type=_F32) + bq_ref[...]
    k = jnp.dot(xpb, wkT_ref[...], preferred_element_type=_F32) + bk_ref[...]
    v = jnp.dot(xpb, wvT_ref[...], preferred_element_type=_F32) + bv_ref[...]
    a_js = []
    for j in range(NH):
        kj = k[:, HDP * j:HDP * (j + 1)]
        kt = jnp.concatenate([kj] * NH, axis=1)
        a_js.append(jnp.dot(q * kt, S, preferred_element_type=_F32))
    best_a = a_js[0]
    upds = []
    for j in range(1, NH):
        upd = a_js[j] > best_a
        best_a = jnp.where(upd, a_js[j], best_a)
        upds.append(upd)
    outs = []
    for h in range(NH):
        out_h = v[:, 0:HDP]
        for j in range(1, NH):
            out_h = jnp.where(upds[j - 1][:, h:h + 1],
                              v[:, HDP * j:HDP * (j + 1)], out_h)
        outs.append(out_h)
    out = jnp.concatenate(outs, axis=1)
    out_ref[...] = out
    ch2 = jnp.dot(out * out, ones8, preferred_element_type=_F32)[:, 0]
    ch2_ref[...] = ch2[None, None, :]


def _run_front(x2d, winT, bin_p, wqT, wkT, wvT, bq, bk, bv, alpha11, nw, nb):
    ntiles = 32
    rows = BL // ntiles
    full = lambda shape: pl.BlockSpec(shape, lambda i: (0,) * len(shape))
    out, ch2 = pl.pallas_call(
        _front_body,
        grid=(ntiles,),
        in_specs=[
            pl.BlockSpec((rows, DIM), lambda i: (i, 0)),
            full((DIM, EDP)), full((1, EDP)),
            full((EDP, EDP)), full((EDP, EDP)), full((EDP, EDP)),
            full((1, EDP)), full((1, EDP)), full((1, EDP)),
            full((1, 1)), full((1, DIM)), full((1, DIM)),
        ],
        out_specs=[
            pl.BlockSpec((rows, EDP), lambda i: (i, 0)),
            pl.BlockSpec((1, 1, rows), lambda i: (i, 0, 0)),
        ],
        out_shape=[
            jax.ShapeDtypeStruct((BL, EDP), _F32),
            jax.ShapeDtypeStruct((ntiles, 1, rows), _F32),
        ],
    )(x2d, winT, bin_p, wqT, wkT, wvT, bq, bk, bv, alpha11, nw, nb)
    return out, ch2.reshape(B_SZ, L)



def _sc_gather(table, x2d, idx):
    mesh = plsc.VectorSubcoreMesh(core_axis_name="c", subcore_axis_name="s")

    @functools.partial(
        pl.kernel,
        out_type=[
            jax.ShapeDtypeStruct((K_PAD, B_SZ * EDP), _F32),
            jax.ShapeDtypeStruct((NW * ROWS_W, DIM), _F32),
        ],
        mesh=mesh,
        scratch_types=[
            pltpu.VMEM((ROWS_W,), jnp.int32),
            pltpu.VMEM((ROWS_W, EDP), _F32),
            pltpu.VMEM((ROWS_W, DIM), _F32),
            pltpu.SemaphoreType.DMA,
            pltpu.SemaphoreType.DMA,
        ],
    )
    def gather_k(table_hbm, x_hbm, idx_hbm, out_hbm, xres_hbm,
                 idx_v, rows_v, xrow_v, sem, sem2):
        wid = lax.axis_index("s") * 2 + lax.axis_index("c")
        b = wid // 16
        t0 = (wid % 16) * ROWS_W
        pltpu.sync_copy(idx_hbm.at[pl.ds(wid * ROWS_W, ROWS_W)], idx_v)
        pltpu.async_copy(table_hbm.at[idx_v], rows_v, sem)
        pltpu.async_copy(x_hbm.at[idx_v], xrow_v, sem2)
        pltpu.make_async_copy(table_hbm.at[idx_v], rows_v, sem).wait()
        pltpu.make_async_copy(x_hbm.at[idx_v], xrow_v, sem2).wait()
        pltpu.sync_copy(rows_v,
                        out_hbm.at[pl.ds(t0, ROWS_W), pl.ds(b * EDP, EDP)])
        pltpu.sync_copy(xrow_v, xres_hbm.at[pl.ds(wid * ROWS_W, ROWS_W)])

    return gather_k(table, x2d, idx)



_W2 = B_SZ * EDP


def _scan_body(u_ref, xres_ref, cw_ref, sigb_ref, sigc_ref, a_ref, woT_ref,
               bout_ref, xproc_ref, xc_scr, y_scr):
    u = u_ref[...]
    w = cw_ref[...]
    z1 = jnp.zeros((1, _W2), _F32)
    z2 = jnp.zeros((2, _W2), _F32)
    z3 = jnp.zeros((3, _W2), _F32)
    xc = u * w[3:4, :]
    xc = xc + jnp.concatenate([z1, u[:-1, :]], axis=0) * w[2:3, :]
    xc = xc + jnp.concatenate([z2, u[:-2, :]], axis=0) * w[1:2, :]
    xc = xc + jnp.concatenate([z3, u[:-3, :]], axis=0) * w[0:1, :]
    xc_scr[...] = xc
    A = a_ref[...]
    sigb = sigb_ref[...]
    sigc = sigc_ref[...]

    ones16 = jnp.ones((1, DS), _F32)

    def step(t, h):
        ut = xc_scr[pl.ds(t, 1), :]
        h = (jnp.dot(A, h.astype(jnp.bfloat16), preferred_element_type=_F32)
             + sigb * ut)
        y_scr[pl.ds(t, 1), :] = jnp.dot(ones16, h * sigc,
                                        preferred_element_type=_F32)
        return h

    lax.fori_loop(0, K_CH, step, jnp.zeros((DS, _W2), _F32), unroll=8)
    y = y_scr[...]
    woT = woT_ref[...]
    bout = bout_ref[...]
    for b in range(B_SZ):
        yb = y[:, b * EDP:(b + 1) * EDP].astype(jnp.bfloat16)
        xp = jnp.dot(yb, woT, preferred_element_type=_F32) + bout
        xproc_ref[pl.ds(b * K_PAD, K_PAD), :] = (
            xp + xres_ref[pl.ds(b * K_PAD, K_PAD), :])


def _run_scan(sf, xres, cw, sigb, sigc, A, woT, bout):
    full = lambda shape: pl.BlockSpec(shape, lambda b: (0,) * len(shape))
    return pl.pallas_call(
        _scan_body,
        grid=(1,),
        in_specs=[
            full((K_PAD, _W2)),
            full((B_SZ * K_PAD, DIM)),
            full((4, _W2)), full((DS, _W2)), full((DS, _W2)),
            full((DS, DS)), full((EDP, DIM)), full((1, DIM)),
        ],
        out_specs=full((B_SZ * K_PAD, DIM)),
        out_shape=jax.ShapeDtypeStruct((B_SZ * K_PAD, DIM), _F32),
        scratch_shapes=[
            pltpu.VMEM((K_PAD, _W2), _F32),
            pltpu.VMEM((K_PAD, _W2), _F32),
        ],
    )(sf, xres, cw, sigb, sigc, A, woT, bout)



BLT = BL + 128


def _sc_scatter(xsum, idx_sc, x2d):
    mesh = plsc.VectorSubcoreMesh(core_axis_name="c", subcore_axis_name="s")
    rows_w = L // 16
    srows = (NW * ROWS_W) // 16

    @functools.partial(
        pl.kernel,
        out_type=jax.ShapeDtypeStruct((BLT, DIM), _F32),
        mesh=mesh,
        scratch_types=[
            pltpu.VMEM((srows,), jnp.int32),
            pltpu.VMEM((srows, DIM), _F32),
            pltpu.SemaphoreType.DMA,
        ],
    )
    def scat_k(xsum_hbm, idx_hbm, x_hbm, out_hbm, idx_v, buf, sem):
        c = lax.axis_index("c")
        s = lax.axis_index("s")
        base = c * L + s * rows_w
        for off, n in ((0, 112), (112, 112), (224, 32)):
            pltpu.sync_copy(x_hbm.at[pl.ds(base + off, n)],
                            buf.at[pl.ds(0, n)])
            pltpu.sync_copy(buf.at[pl.ds(0, n)],
                            out_hbm.at[pl.ds(base + off, n)])
        plsc.subcore_barrier()
        pltpu.sync_copy(idx_hbm.at[c, s], idx_v)
        pltpu.sync_copy(xsum_hbm.at[pl.ds(s * srows, srows)], buf)
        pltpu.async_copy(buf, out_hbm.at[idx_v], sem).wait()

    return scat_k(xsum, idx_sc, x2d)



def _head_pad_cols(w):
    n = w.shape[0]
    w3 = w.reshape(n, NH, HD)
    w3 = jnp.pad(w3, ((0, 0), (0, 0), (0, HDP - HD)))
    return w3.reshape(n, EDP)


def _head_pad_vec(b):
    return _head_pad_cols(b.reshape(1, ED))



@jax.jit
def kernel(x, alpha, norm_w, norm_b, W_in, b_in, qkv_W, qkv_b, conv_w,
           A, Bp, Cp, W_out, b_out):
    x2d = x.reshape(BL, DIM)

    bf16 = jnp.bfloat16
    winT = jnp.pad(W_in.T, ((0, 0), (0, EDP - ED))).astype(bf16)
    bin_p = jnp.pad(b_in, (0, EDP - ED)).reshape(1, EDP)
    wq, wk, wv = qkv_W[0:ED], qkv_W[ED:2 * ED], qkv_W[2 * ED:3 * ED]
    wqT = jnp.pad(_head_pad_cols(wq.T), ((0, EDP - ED), (0, 0))).astype(bf16)
    wkT = jnp.pad(_head_pad_cols(wk.T), ((0, EDP - ED), (0, 0))).astype(bf16)
    wvT = jnp.pad(_head_pad_cols(wv.T), ((0, EDP - ED), (0, 0))).astype(bf16)
    bq = _head_pad_vec(qkv_b[0:ED])
    bk = _head_pad_vec(qkv_b[ED:2 * ED])
    bv = _head_pad_vec(qkv_b[2 * ED:3 * ED])
    alpha11 = alpha.reshape(1, 1)
    nw = norm_w.reshape(1, DIM)
    nb = norm_b.reshape(1, DIM)

    cw = _head_pad_cols(conv_w[:, 0, :].T)
    cw2 = jnp.concatenate([cw, cw], axis=1)
    sigb = jnp.broadcast_to(jax.nn.sigmoid(Bp).reshape(DS, 1), (DS, ED))
    sigb = jnp.concatenate([_head_pad_cols(sigb)] * B_SZ, axis=1)
    sigc = jnp.concatenate([_head_pad_cols(jax.nn.sigmoid(Cp).T)] * B_SZ,
                           axis=1)
    woT = _head_pad_cols(W_out).T.astype(bf16)
    bout = b_out.reshape(1, DIM)
    A = A.astype(bf16)

    out, ch2 = _run_front(x2d, winT, bin_p, wqT, wkT, wvT, bq, bk, bv,
                          alpha11, nw, nb)

    _, topk_idx = lax.top_k(ch2, K_CH)
    boff = jnp.arange(B_SZ, dtype=jnp.int32)[:, None] * L
    tpad = jnp.pad(topk_idx.astype(jnp.int32), ((0, 0), (0, K_PAD - K_CH)))
    tgt = tpad + boff
    valid = (jnp.arange(K_PAD, dtype=jnp.int32) < K_CH)[None, :]
    trash = BL + (jnp.arange(K_PAD, dtype=jnp.int32) % 128)[None, :]
    tgt = jnp.where(valid, tgt, trash)
    idx_g = (tpad + boff).reshape(NW * ROWS_W)
    halves = jnp.arange(2, dtype=jnp.int32)[:, None] * L
    tflat = tgt.reshape(1, -1)
    trash_flat = BL + (jnp.arange(NW * ROWS_W, dtype=jnp.int32) % 128)[None, :]
    own = (tflat >= halves) & (tflat < halves + L)
    idx_sc = jnp.where(own, tflat, trash_flat)
    idx_sc = idx_sc.reshape(B_SZ, 16, (NW * ROWS_W) // 16)

    sf, xres = _sc_gather(out, x2d, idx_g)

    xsum = _run_scan(sf, xres, cw2, sigb, sigc, A, woT, bout)

    res = _sc_scatter(xsum, idx_sc, x2d)
    return res[:BL].reshape(B_SZ, L, DIM)

# --- scband reference (transcript-rebuilt; emitter-appended) ---
"""Pipeline reference for scband-change-detection-mamba-39633958208137 (READ-ONLY COPY).

The authoritative reference and input builder live on the scoring server;
editing this copy changes nothing except your own understanding.
"""

import jax, jax.numpy as jnp
import numpy as np

B_SZ = 2
L = 4096
DIM = 1024
ED = 336
NH = 6
HD = 56
DS = 16
DCONV = 4
SR = 0.2


def setup_inputs(seed: int = 0) -> dict:
    key = jax.random.key(seed)
    ks = jax.random.split(key, 10)
    s = 0.02
    return {
        'x': jax.random.normal(ks[0], (B_SZ, L, DIM), dtype=jnp.float32),
        'alpha': jnp.ones((1,), jnp.float32) * 0.5,
        'norm_w': jnp.ones((DIM,), jnp.float32),
        'norm_b': jnp.zeros((DIM,), jnp.float32),
        'W_in': (jax.random.normal(ks[1], (ED, DIM)) * s).astype(jnp.float32),
        'b_in': jnp.zeros((ED,), jnp.float32),
        'qkv_W': (jax.random.normal(ks[2], (3 * ED, ED)) * s).astype(jnp.float32),
        'qkv_b': jnp.zeros((3 * ED,), jnp.float32),
        'conv_w': (jax.random.normal(ks[3], (ED, 1, DCONV)) * s).astype(jnp.float32),
        'A': (jax.random.normal(ks[4], (DS, DS)) * s).astype(jnp.float32),
        'Bp': (jax.random.normal(ks[5], (1, 1, DS)) * s).astype(jnp.float32),
        'Cp': (jax.random.normal(ks[6], (ED, DS)) * s).astype(jnp.float32),
        'W_out': (jax.random.normal(ks[7], (DIM, ED)) * s).astype(jnp.float32),
        'b_out': jnp.zeros((DIM,), jnp.float32),
    }


def reference(x, alpha, norm_w, norm_b, W_in, b_in, qkv_W, qkv_b, conv_w, A, Bp, Cp, W_out, b_out):
    B, Lt, C = x.shape
    residual = x
    # DyT norm
    xn = jnp.tanh(alpha * x) * norm_w + norm_b
    # proj_in + L2 normalize (F.normalize eps=1e-12)
    xp = xn @ W_in.T + b_in
    xp = xp / jnp.maximum(jnp.linalg.norm(xp, axis=-1, keepdims=True), 1e-12)
    # ChannelWiseAttention (topk path, use_sampling=False)
    BL = B * Lt
    qkv = (xp.reshape(BL, ED) @ qkv_W.T + qkv_b).reshape(BL, 3, NH, HD).transpose(1, 0, 2, 3)
    q, k_, v = qkv[0], qkv[1], qkv[2]
    attn = jnp.matmul(q, jnp.swapaxes(k_, -2, -1)) * (HD ** -0.5)
    k_heads = max(1, int(NH * SR))
    top_s, top_i = jax.lax.top_k(attn, k_heads)
    soft = jax.nn.softmax(top_s, axis=-1)
    bi = jnp.arange(BL)[:, None, None]
    hi = jnp.arange(NH)[None, :, None]
    sparse_attn = jnp.zeros_like(attn).at[bi, hi, top_i].set(soft)
    out = jnp.matmul(sparse_attn, v)
    out = jnp.swapaxes(out, 1, 2).reshape(B, Lt, ED)
    ch_imp = jnp.linalg.norm(out, axis=-1)
    k_ch = max(1, int(Lt * SR))
    _, topk_idx = jax.lax.top_k(ch_imp, k_ch)
    sparse_feat = jnp.take_along_axis(out, topk_idx[:, :, None], axis=1)
    # depthwise causal-ish conv1d, padding=d_conv-1 both sides, then [:, :, :L]
    xc = jnp.swapaxes(sparse_feat, 1, 2)
    xc = jax.lax.conv_general_dilated(xc, conv_w, (1,), [(DCONV - 1, DCONV - 1)],
                                      dimension_numbers=('NCH', 'OIH', 'NCH'),
                                      feature_group_count=ED)
    xc = xc[..., :Lt]
    xc = jnp.swapaxes(xc, 1, 2)
    # sequential SSM over k_ch selected tokens
    xs = jnp.swapaxes(xc[:, :k_ch], 0, 1)
    sigB = jax.nn.sigmoid(Bp)
    sigC = jax.nn.sigmoid(Cp)[None]

    def step(h, x_t):
        h2 = jnp.matmul(h, A.T) + sigB * x_t[:, :, None]
        return h2, (h2 * sigC).sum(-1)

    h0 = jnp.zeros((B, ED, DS), x.dtype)
    _, outs = jax.lax.scan(step, h0, xs)
    xproc = jnp.swapaxes(outs, 0, 1) @ W_out.T + b_out
    # scatter processed tokens back to full sequence
    output = jnp.zeros((B, Lt, C), x.dtype).at[jnp.arange(B)[:, None], topk_idx].set(xproc)
    return output + residual

if __name__ == "__main__":
    import jax
    _d = setup_inputs()
    print(jax.jit(kernel)(*tuple(_d.values())))

</pallas_src>

<mosaic_0001>
#map = affine_map<(d0, d1) -> (0, 0)>
#map1 = affine_map<(d0, d1) -> (0, 0, 0)>
module attributes {stable_mosaic.version = 14 : i64} {
  func.func @scat_k(%arg0: i32, %arg1: i32, %arg2: memref<1792x1024xf32, #tpu.memory_space<hbm>>, %arg3: memref<2x16x112xi32, #tpu.memory_space<hbm>>, %arg4: memref<8192x1024xf32, #tpu.memory_space<hbm>>, %arg5: memref<8320x1024xf32, #tpu.memory_space<hbm>>, %arg6: memref<112xi32, #tpu.memory_space<vmem>>, %arg7: memref<112x1024xf32, #tpu.memory_space<vmem>>, %arg8: memref<!tpu.dma_semaphore, #tpu.memory_space<semaphore_mem>>) attributes {dimension_semantics = [#tpu.dimension_semantics<core_parallel>, #tpu.dimension_semantics<subcore_parallel>], iteration_bounds = array<i64: 2, 16>, scalar_prefetch = 0 : i64, scratch_operands = 3 : i64, tpu.core_type = #tpu.core_type<sc_vector_subcore>, window_params = [{transform_indices = #map}, {transform_indices = #map1}, {transform_indices = #map}, {transform_indices = #map}]} {
    %mul3A = arith.constant 4096 : i32
    %mul3A_0 = arith.muli %arg0, %mul3A : i32
    %mul3A_1 = arith.constant 256 : i32
    %mul3A_2 = arith.muli %arg1, %mul3A_1 : i32
    %add3A = arith.addi %mul3A_0, %mul3A_2 : i32
    %add3A_3 = arith.constant 0 : i32
    %add3A_4 = arith.addi %add3A, %add3A_3 : i32
    "tpu.region"() ({
      %run_scoped3A = tpu.sem_alloc : memref<!tpu.dma_semaphore, #tpu.memory_space<semaphore_mem>>
      %dma_start3A_21 = arith.constant 0 : i32
      %dma_start3A_22 = arith.constant 0 : i32
      %dma_start3A_23 = tpu.memref_slice %arg7[%dma_start3A_21, %dma_start3A_22] : memref<112x1024xf32, #tpu.memory_space<vmem>> -> memref<112x1024xf32, #tpu.memory_space<vmem>>
      %dma_start3A_24 = arith.constant 0 : i32
      %dma_start3A_25 = tpu.memref_slice %arg4[%add3A_4, %dma_start3A_24] : memref<8192x1024xf32, #tpu.memory_space<hbm>> -> memref<112x1024xf32, #tpu.memory_space<hbm>>
      %dma_start3A_26 = arith.constant 0 : i32
      %dma_start3A_27 = arith.constant 0 : i32
      %dma_start3A_28 = tpu.memref_slice %arg7[%dma_start3A_26, %dma_start3A_27] : memref<112x1024xf32, #tpu.memory_space<vmem>> -> memref<112x1024xf32, #tpu.memory_space<vmem>>
      %dma_start3A_29 = arith.constant 0 : i32
      %dma_start3A_30 = tpu.memref_slice %arg4[%add3A_4, %dma_start3A_29] : memref<8192x1024xf32, #tpu.memory_space<hbm>> -> memref<112x1024xf32, #tpu.memory_space<hbm>>
      tpu.enqueue_dma source(%dma_start3A_30 : memref<112x1024xf32, #tpu.memory_space<hbm>>) target(%dma_start3A_28 : memref<112x1024xf32, #tpu.memory_space<vmem>>) target_semaphore(%run_scoped3A : memref<!tpu.dma_semaphore, #tpu.memory_space<semaphore_mem>>)
      %dma_wait3A_31 = arith.constant 0 : i32
      %dma_wait3A_32 = arith.constant 0 : i32
      %dma_wait3A_33 = tpu.memref_slice %arg7[%dma_wait3A_31, %dma_wait3A_32] : memref<112x1024xf32, #tpu.memory_space<vmem>> -> memref<112x1024xf32, #tpu.memory_space<vmem>>
      %dma_wait3A_34 = arith.constant 0 : i32
      %dma_wait3A_35 = tpu.memref_slice %arg4[%add3A_4, %dma_wait3A_34] : memref<8192x1024xf32, #tpu.memory_space<hbm>> -> memref<112x1024xf32, #tpu.memory_space<hbm>>
      %dma_wait3A_36 = arith.constant 0 : i32
      %dma_wait3A_37 = arith.constant 0 : i32
      %dma_wait3A_38 = tpu.memref_slice %arg7[%dma_wait3A_36, %dma_wait3A_37] : memref<112x1024xf32, #tpu.memory_space<vmem>> -> memref<112x1024xf32, #tpu.memory_space<vmem>>
      %dma_wait3A_39 = arith.constant 0 : i32
      %dma_wait3A_40 = tpu.memref_slice %arg4[%add3A_4, %dma_wait3A_39] : memref<8192x1024xf32, #tpu.memory_space<hbm>> -> memref<112x1024xf32, #tpu.memory_space<hbm>>
      tpu.wait_dma2 semaphore(%run_scoped3A : memref<!tpu.dma_semaphore, #tpu.memory_space<semaphore_mem>>) src(%dma_wait3A_40 : memref<112x1024xf32, #tpu.memory_space<hbm>>) dst(%dma_wait3A_38 : memref<112x1024xf32, #tpu.memory_space<vmem>>)
      tpu.yield
    }) : () -> ()
    %add3A_5 = arith.constant 0 : i32
    %add3A_6 = arith.addi %add3A, %add3A_5 : i32
    "tpu.region"() ({
      %run_scoped3A = tpu.sem_alloc : memref<!tpu.dma_semaphore, #tpu.memory_space<semaphore_mem>>
      %dma_start3A_21 = arith.constant 0 : i32
      %dma_start3A_22 = arith.constant 0 : i32
      %dma_start3A_23 = tpu.memref_slice %arg7[%dma_start3A_21, %dma_start3A_22] : memref<112x1024xf32, #tpu.memory_space<vmem>> -> memref<112x1024xf32, #tpu.memory_space<vmem>>
      %dma_start3A_24 = arith.constant 0 : i32
      %dma_start3A_25 = tpu.memref_slice %arg5[%add3A_6, %dma_start3A_24] : memref<8320x1024xf32, #tpu.memory_space<hbm>> -> memref<112x1024xf32, #tpu.memory_space<hbm>>
      %dma_start3A_26 = arith.constant 0 : i32
      %dma_start3A_27 = tpu.memref_slice %arg5[%add3A_6, %dma_start3A_26] : memref<8320x1024xf32, #tpu.memory_space<hbm>> -> memref<112x1024xf32, #tpu.memory_space<hbm>>
      %dma_start3A_28 = arith.constant 0 : i32
      %dma_start3A_29 = arith.constant 0 : i32
      %dma_start3A_30 = tpu.memref_slice %arg7[%dma_start3A_28, %dma_start3A_29] : memref<112x1024xf32, #tpu.memory_space<vmem>> -> memref<112x1024xf32, #tpu.memory_space<vmem>>
      tpu.enqueue_dma source(%dma_start3A_30 : memref<112x1024xf32, #tpu.memory_space<vmem>>) target(%dma_start3A_27 : memref<112x1024xf32, #tpu.memory_space<hbm>>) target_semaphore(%run_scoped3A : memref<!tpu.dma_semaphore, #tpu.memory_space<semaphore_mem>>)
      %dma_wait3A_31 = arith.constant 0 : i32
      %dma_wait3A_32 = arith.constant 0 : i32
      %dma_wait3A_33 = tpu.memref_slice %arg7[%dma_wait3A_31, %dma_wait3A_32] : memref<112x1024xf32, #tpu.memory_space<vmem>> -> memref<112x1024xf32, #tpu.memory_space<vmem>>
      %dma_wait3A_34 = arith.constant 0 : i32
      %dma_wait3A_35 = tpu.memref_slice %arg5[%add3A_6, %dma_wait3A_34] : memref<8320x1024xf32, #tpu.memory_space<hbm>> -> memref<112x1024xf32, #tpu.memory_space<hbm>>
      %dma_wait3A_36 = arith.constant 0 : i32
      %dma_wait3A_37 = tpu.memref_slice %arg5[%add3A_6, %dma_wait3A_36] : memref<8320x1024xf32, #tpu.memory_space<hbm>> -> memref<112x1024xf32, #tpu.memory_space<hbm>>
      %dma_wait3A_38 = arith.constant 0 : i32
      %dma_wait3A_39 = arith.constant 0 : i32
      %dma_wait3A_40 = tpu.memref_slice %arg7[%dma_wait3A_38, %dma_wait3A_39] : memref<112x1024xf32, #tpu.memory_space<vmem>> -> memref<112x1024xf32, #tpu.memory_space<vmem>>
      tpu.wait_dma2 semaphore(%run_scoped3A : memref<!tpu.dma_semaphore, #tpu.memory_space<semaphore_mem>>) src(%dma_wait3A_40 : memref<112x1024xf32, #tpu.memory_space<vmem>>) dst(%dma_wait3A_37 : memref<112x1024xf32, #tpu.memory_space<hbm>>)
      tpu.yield
    }) : () -> ()
    %add3A_7 = arith.constant 112 : i32
    %add3A_8 = arith.addi %add3A, %add3A_7 : i32
    "tpu.region"() ({
      %run_scoped3A = tpu.sem_alloc : memref<!tpu.dma_semaphore, #tpu.memory_space<semaphore_mem>>
      %dma_start3A_21 = arith.constant 0 : i32
      %dma_start3A_22 = arith.constant 0 : i32
      %dma_start3A_23 = tpu.memref_slice %arg7[%dma_start3A_21, %dma_start3A_22] : memref<112x1024xf32, #tpu.memory_space<vmem>> -> memref<112x1024xf32, #tpu.memory_space<vmem>>
      %dma_start3A_24 = arith.constant 0 : i32
      %dma_start3A_25 = tpu.memref_slice %arg4[%add3A_8, %dma_start3A_24] : memref<8192x1024xf32, #tpu.memory_space<hbm>> -> memref<112x1024xf32, #tpu.memory_space<hbm>>
      %dma_start3A_26 = arith.constant 0 : i32
      %dma_start3A_27 = arith.constant 0 : i32
      %dma_start3A_28 = tpu.memref_slice %arg7[%dma_start3A_26, %dma_start3A_27] : memref<112x1024xf32, #tpu.memory_space<vmem>> -> memref<112x1024xf32, #tpu.memory_space<vmem>>
      %dma_start3A_29 = arith.constant 0 : i32
      %dma_start3A_30 = tpu.memref_slice %arg4[%add3A_8, %dma_start3A_29] : memref<8192x1024xf32, #tpu.memory_space<hbm>> -> memref<112x1024xf32, #tpu.memory_space<hbm>>
      tpu.enqueue_dma source(%dma_start3A_30 : memref<112x1024xf32, #tpu.memory_space<hbm>>) target(%dma_start3A_28 : memref<112x1024xf32, #tpu.memory_space<vmem>>) target_semaphore(%run_scoped3A : memref<!tpu.dma_semaphore, #tpu.memory_space<semaphore_mem>>)
      %dma_wait3A_31 = arith.constant 0 : i32
      %dma_wait3A_32 = arith.constant 0 : i32
      %dma_wait3A_33 = tpu.memref_slice %arg7[%dma_wait3A_31, %dma_wait3A_32] : memref<112x1024xf32, #tpu.memory_space<vmem>> -> memref<112x1024xf32, #tpu.memory_space<vmem>>
      %dma_wait3A_34 = arith.constant 0 : i32
      %dma_wait3A_35 = tpu.memref_slice %arg4[%add3A_8, %dma_wait3A_34] : memref<8192x1024xf32, #tpu.memory_space<hbm>> -> memref<112x1024xf32, #tpu.memory_space<hbm>>
      %dma_wait3A_36 = arith.constant 0 : i32
      %dma_wait3A_37 = arith.constant 0 : i32
      %dma_wait3A_38 = tpu.memref_slice %arg7[%dma_wait3A_36, %dma_wait3A_37] : memref<112x1024xf32, #tpu.memory_space<vmem>> -> memref<112x1024xf32, #tpu.memory_space<vmem>>
      %dma_wait3A_39 = arith.constant 0 : i32
      %dma_wait3A_40 = tpu.memref_slice %arg4[%add3A_8, %dma_wait3A_39] : memref<8192x1024xf32, #tpu.memory_space<hbm>> -> memref<112x1024xf32, #tpu.memory_space<hbm>>
      tpu.wait_dma2 semaphore(%run_scoped3A : memref<!tpu.dma_semaphore, #tpu.memory_space<semaphore_mem>>) src(%dma_wait3A_40 : memref<112x1024xf32, #tpu.memory_space<hbm>>) dst(%dma_wait3A_38 : memref<112x1024xf32, #tpu.memory_space<vmem>>)
      tpu.yield
    }) : () -> ()
    %add3A_9 = arith.constant 112 : i32
    %add3A_10 = arith.addi %add3A, %add3A_9 : i32
    "tpu.region"() ({
      %run_scoped3A = tpu.sem_alloc : memref<!tpu.dma_semaphore, #tpu.memory_space<semaphore_mem>>
      %dma_start3A_21 = arith.constant 0 : i32
      %dma_start3A_22 = arith.constant 0 : i32
      %dma_start3A_23 = tpu.memref_slice %arg7[%dma_start3A_21, %dma_start3A_22] : memref<112x1024xf32, #tpu.memory_space<vmem>> -> memref<112x1024xf32, #tpu.memory_space<vmem>>
      %dma_start3A_24 = arith.constant 0 : i32
      %dma_start3A_25 = tpu.memref_slice %arg5[%add3A_10, %dma_start3A_24] : memref<8320x1024xf32, #tpu.memory_space<hbm>> -> memref<112x1024xf32, #tpu.memory_space<hbm>>
      %dma_start3A_26 = arith.constant 0 : i32
      %dma_start3A_27 = tpu.memref_slice %arg5[%add3A_10, %dma_start3A_26] : memref<8320x1024xf32, #tpu.memory_space<hbm>> -> memref<112x1024xf32, #tpu.memory_space<hbm>>
      %dma_start3A_28 = arith.constant 0 : i32
      %dma_start3A_29 = arith.constant 0 : i32
      %dma_start3A_30 = tpu.memref_slice %arg7[%dma_start3A_28, %dma_start3A_29] : memref<112x1024xf32, #tpu.memory_space<vmem>> -> memref<112x1024xf32, #tpu.memory_space<vmem>>
      tpu.enqueue_dma source(%dma_start3A_30 : memref<112x1024xf32, #tpu.memory_space<vmem>>) target(%dma_start3A_27 : memref<112x1024xf32, #tpu.memory_space<hbm>>) target_semaphore(%run_scoped3A : memref<!tpu.dma_semaphore, #tpu.memory_space<semaphore_mem>>)
      %dma_wait3A_31 = arith.constant 0 : i32
      %dma_wait3A_32 = arith.constant 0 : i32
      %dma_wait3A_33 = tpu.memref_slice %arg7[%dma_wait3A_31, %dma_wait3A_32] : memref<112x1024xf32, #tpu.memory_space<vmem>> -> memref<112x1024xf32, #tpu.memory_space<vmem>>
      %dma_wait3A_34 = arith.constant 0 : i32
      %dma_wait3A_35 = tpu.memref_slice %arg5[%add3A_10, %dma_wait3A_34] : memref<8320x1024xf32, #tpu.memory_space<hbm>> -> memref<112x1024xf32, #tpu.memory_space<hbm>>
      %dma_wait3A_36 = arith.constant 0 : i32
      %dma_wait3A_37 = tpu.memref_slice %arg5[%add3A_10, %dma_wait3A_36] : memref<8320x1024xf32, #tpu.memory_space<hbm>> -> memref<112x1024xf32, #tpu.memory_space<hbm>>
      %dma_wait3A_38 = arith.constant 0 : i32
      %dma_wait3A_39 = arith.constant 0 : i32
      %dma_wait3A_40 = tpu.memref_slice %arg7[%dma_wait3A_38, %dma_wait3A_39] : memref<112x1024xf32, #tpu.memory_space<vmem>> -> memref<112x1024xf32, #tpu.memory_space<vmem>>
      tpu.wait_dma2 semaphore(%run_scoped3A : memref<!tpu.dma_semaphore, #tpu.memory_space<semaphore_mem>>) src(%dma_wait3A_40 : memref<112x1024xf32, #tpu.memory_space<vmem>>) dst(%dma_wait3A_37 : memref<112x1024xf32, #tpu.memory_space<hbm>>)
      tpu.yield
    }) : () -> ()
    %add3A_11 = arith.constant 224 : i32
    %add3A_12 = arith.addi %add3A, %add3A_11 : i32
    "tpu.region"() ({
      %run_scoped3A = tpu.sem_alloc : memref<!tpu.dma_semaphore, #tpu.memory_space<semaphore_mem>>
      %dma_start3A_21 = arith.constant 0 : i32
      %dma_start3A_22 = arith.constant 0 : i32
      %dma_start3A_23 = tpu.memref_slice %arg7[%dma_start3A_21, %dma_start3A_22] : memref<112x1024xf32, #tpu.memory_space<vmem>> -> memref<32x1024xf32, #tpu.memory_space<vmem>>
      %dma_start3A_24 = arith.constant 0 : i32
      %dma_start3A_25 = tpu.memref_slice %arg4[%add3A_12, %dma_start3A_24] : memref<8192x1024xf32, #tpu.memory_space<hbm>> -> memref<32x1024xf32, #tpu.memory_space<hbm>>
      %dma_start3A_26 = arith.constant 0 : i32
      %dma_start3A_27 = arith.constant 0 : i32
      %dma_start3A_28 = tpu.memref_slice %arg7[%dma_start3A_26, %dma_start3A_27] : memref<112x1024xf32, #tpu.memory_space<vmem>> -> memref<32x1024xf32, #tpu.memory_space<vmem>>
      %dma_start3A_29 = arith.constant 0 : i32
      %dma_start3A_30 = tpu.memref_slice %arg4[%add3A_12, %dma_start3A_29] : memref<8192x1024xf32, #tpu.memory_space<hbm>> -> memref<32x1024xf32, #tpu.memory_space<hbm>>
      tpu.enqueue_dma source(%dma_start3A_30 : memref<32x1024xf32, #tpu.memory_space<hbm>>) target(%dma_start3A_28 : memref<32x1024xf32, #tpu.memory_space<vmem>>) target_semaphore(%run_scoped3A : memref<!tpu.dma_semaphore, #tpu.memory_space<semaphore_mem>>)
      %dma_wait3A_31 = arith.constant 0 : i32
      %dma_wait3A_32 = arith.constant 0 : i32
      %dma_wait3A_33 = tpu.memref_slice %arg7[%dma_wait3A_31, %dma_wait3A_32] : memref<112x1024xf32, #tpu.memory_space<vmem>> -> memref<32x1024xf32, #tpu.memory_space<vmem>>
      %dma_wait3A_34 = arith.constant 0 : i32
      %dma_wait3A_35 = tpu.memref_slice %arg4[%add3A_12, %dma_wait3A_34] : memref<8192x1024xf32, #tpu.memory_space<hbm>> -> memref<32x1024xf32, #tpu.memory_space<hbm>>
      %dma_wait3A_36 = arith.constant 0 : i32
      %dma_wait3A_37 = arith.constant 0 : i32
      %dma_wait3A_38 = tpu.memref_slice %arg7[%dma_wait3A_36, %dma_wait3A_37] : memref<112x1024xf32, #tpu.memory_space<vmem>> -> memref<32x1024xf32, #tpu.memory_space<vmem>>
      %dma_wait3A_39 = arith.constant 0 : i32
      %dma_wait3A_40 = tpu.memref_slice %arg4[%add3A_12, %dma_wait3A_39] : memref<8192x1024xf32, #tpu.memory_space<hbm>> -> memref<32x1024xf32, #tpu.memory_space<hbm>>
      tpu.wait_dma2 semaphore(%run_scoped3A : memref<!tpu.dma_semaphore, #tpu.memory_space<semaphore_mem>>) src(%dma_wait3A_40 : memref<32x1024xf32, #tpu.memory_space<hbm>>) dst(%dma_wait3A_38 : memref<32x1024xf32, #tpu.memory_space<vmem>>)
      tpu.yield
    }) : () -> ()
    %add3A_13 = arith.constant 224 : i32
    %add3A_14 = arith.addi %add3A, %add3A_13 : i32
    "tpu.region"() ({
      %run_scoped3A = tpu.sem_alloc : memref<!tpu.dma_semaphore, #tpu.memory_space<semaphore_mem>>
      %dma_start3A_21 = arith.constant 0 : i32
      %dma_start3A_22 = arith.constant 0 : i32
      %dma_start3A_23 = tpu.memref_slice %arg7[%dma_start3A_21, %dma_start3A_22] : memref<112x1024xf32, #tpu.memory_space<vmem>> -> memref<32x1024xf32, #tpu.memory_space<vmem>>
      %dma_start3A_24 = arith.constant 0 : i32
      %dma_start3A_25 = tpu.memref_slice %arg5[%add3A_14, %dma_start3A_24] : memref<8320x1024xf32, #tpu.memory_space<hbm>> -> memref<32x1024xf32, #tpu.memory_space<hbm>>
      %dma_start3A_26 = arith.constant 0 : i32
      %dma_start3A_27 = tpu.memref_slice %arg5[%add3A_14, %dma_start3A_26] : memref<8320x1024xf32, #tpu.memory_space<hbm>> -> memref<32x1024xf32, #tpu.memory_space<hbm>>
      %dma_start3A_28 = arith.constant 0 : i32
      %dma_start3A_29 = arith.constant 0 : i32
      %dma_start3A_30 = tpu.memref_slice %arg7[%dma_start3A_28, %dma_start3A_29] : memref<112x1024xf32, #tpu.memory_space<vmem>> -> memref<32x1024xf32, #tpu.memory_space<vmem>>
      tpu.enqueue_dma source(%dma_start3A_30 : memref<32x1024xf32, #tpu.memory_space<vmem>>) target(%dma_start3A_27 : memref<32x1024xf32, #tpu.memory_space<hbm>>) target_semaphore(%run_scoped3A : memref<!tpu.dma_semaphore, #tpu.memory_space<semaphore_mem>>)
      %dma_wait3A_31 = arith.constant 0 : i32
      %dma_wait3A_32 = arith.constant 0 : i32
      %dma_wait3A_33 = tpu.memref_slice %arg7[%dma_wait3A_31, %dma_wait3A_32] : memref<112x1024xf32, #tpu.memory_space<vmem>> -> memref<32x1024xf32, #tpu.memory_space<vmem>>
      %dma_wait3A_34 = arith.constant 0 : i32
      %dma_wait3A_35 = tpu.memref_slice %arg5[%add3A_14, %dma_wait3A_34] : memref<8320x1024xf32, #tpu.memory_space<hbm>> -> memref<32x1024xf32, #tpu.memory_space<hbm>>
      %dma_wait3A_36 = arith.constant 0 : i32
      %dma_wait3A_37 = tpu.memref_slice %arg5[%add3A_14, %dma_wait3A_36] : memref<8320x1024xf32, #tpu.memory_space<hbm>> -> memref<32x1024xf32, #tpu.memory_space<hbm>>
      %dma_wait3A_38 = arith.constant 0 : i32
      %dma_wait3A_39 = arith.constant 0 : i32
      %dma_wait3A_40 = tpu.memref_slice %arg7[%dma_wait3A_38, %dma_wait3A_39] : memref<112x1024xf32, #tpu.memory_space<vmem>> -> memref<32x1024xf32, #tpu.memory_space<vmem>>
      tpu.wait_dma2 semaphore(%run_scoped3A : memref<!tpu.dma_semaphore, #tpu.memory_space<semaphore_mem>>) src(%dma_wait3A_40 : memref<32x1024xf32, #tpu.memory_space<vmem>>) dst(%dma_wait3A_37 : memref<32x1024xf32, #tpu.memory_space<hbm>>)
      tpu.yield
    }) : () -> ()
    %barrier3A = arith.constant 0 : index
    tpu.barrier barrier_id(%barrier3A)
    "tpu.region"() ({
      %run_scoped3A = tpu.sem_alloc : memref<!tpu.dma_semaphore, #tpu.memory_space<semaphore_mem>>
      %dma_start3A_21 = arith.constant 0 : i32
      %dma_start3A_22 = tpu.memref_slice %arg3[%arg0, %arg1, %dma_start3A_21] : memref<2x16x112xi32, #tpu.memory_space<hbm>> -> memref<1x1x112xi32, #tpu.memory_space<hbm>>
      %dma_start3A_23 = tpu.memref_squeeze %dma_start3A_22 : memref<1x1x112xi32, #tpu.memory_space<hbm>> -> memref<112xi32, #tpu.memory_space<hbm>>
      %dma_start3A_24 = arith.constant 0 : i32
      %dma_start3A_25 = tpu.memref_slice %arg3[%arg0, %arg1, %dma_start3A_24] : memref<2x16x112xi32, #tpu.memory_space<hbm>> -> memref<1x1x112xi32, #tpu.memory_space<hbm>>
      %dma_start3A_26 = tpu.memref_squeeze %dma_start3A_25 : memref<1x1x112xi32, #tpu.memory_space<hbm>> -> memref<112xi32, #tpu.memory_space<hbm>>
      tpu.enqueue_dma source(%dma_start3A_26 : memref<112xi32, #tpu.memory_space<hbm>>) target(%arg6 : memref<112xi32, #tpu.memory_space<vmem>>) target_semaphore(%run_scoped3A : memref<!tpu.dma_semaphore, #tpu.memory_space<semaphore_mem>>)
      %dma_wait3A_27 = arith.constant 0 : i32
      %dma_wait3A_28 = tpu.memref_slice %arg3[%arg0, %arg1, %dma_wait3A_27] : memref<2x16x112xi32, #tpu.memory_space<hbm>> -> memref<1x1x112xi32, #tpu.memory_space<hbm>>
      %dma_wait3A_29 = tpu.memref_squeeze %dma_wait3A_28 : memref<1x1x112xi32, #tpu.memory_space<hbm>> -> memref<112xi32, #tpu.memory_space<hbm>>
      %dma_wait3A_30 = arith.constant 0 : i32
      %dma_wait3A_31 = tpu.memref_slice %arg3[%arg0, %arg1, %dma_wait3A_30] : memref<2x16x112xi32, #tpu.memory_space<hbm>> -> memref<1x1x112xi32, #tpu.memory_space<hbm>>
      %dma_wait3A_32 = tpu.memref_squeeze %dma_wait3A_31 : memref<1x1x112xi32, #tpu.memory_space<hbm>> -> memref<112xi32, #tpu.memory_space<hbm>>
      tpu.wait_dma2 semaphore(%run_scoped3A : memref<!tpu.dma_semaphore, #tpu.memory_space<semaphore_mem>>) src(%dma_wait3A_32 : memref<112xi32, #tpu.memory_space<hbm>>) dst(%arg6 : memref<112xi32, #tpu.memory_space<vmem>>)
      tpu.yield
    }) : () -> ()
    %mul3A_15 = arith.constant 112 : i32
    %mul3A_16 = arith.muli %arg1, %mul3A_15 : i32
    "tpu.region"() ({
      %run_scoped3A = tpu.sem_alloc : memref<!tpu.dma_semaphore, #tpu.memory_space<semaphore_mem>>
      %dma_start3A_21 = arith.constant 0 : i32
      %dma_start3A_22 = tpu.memref_slice %arg2[%mul3A_16, %dma_start3A_21] : memref<1792x1024xf32, #tpu.memory_space<hbm>> -> memref<112x1024xf32, #tpu.memory_space<hbm>>
      %dma_start3A_23 = arith.constant 0 : i32
      %dma_start3A_24 = tpu.memref_slice %arg2[%mul3A_16, %dma_start3A_23] : memref<1792x1024xf32, #tpu.memory_space<hbm>> -> memref<112x1024xf32, #tpu.memory_space<hbm>>
      tpu.enqueue_dma source(%dma_start3A_24 : memref<112x1024xf32, #tpu.memory_space<hbm>>) target(%arg7 : memref<112x1024xf32, #tpu.memory_space<vmem>>) target_semaphore(%run_scoped3A : memref<!tpu.dma_semaphore, #tpu.memory_space<semaphore_mem>>)
      %dma_wait3A_25 = arith.constant 0 : i32
      %dma_wait3A_26 = tpu.memref_slice %arg2[%mul3A_16, %dma_wait3A_25] : memref<1792x1024xf32, #tpu.memory_space<hbm>> -> memref<112x1024xf32, #tpu.memory_space<hbm>>
      %dma_wait3A_27 = arith.constant 0 : i32
      %dma_wait3A_28 = tpu.memref_slice %arg2[%mul3A_16, %dma_wait3A_27] : memref<1792x1024xf32, #tpu.memory_space<hbm>> -> memref<112x1024xf32, #tpu.memory_space<hbm>>
      tpu.wait_dma2 semaphore(%run_scoped3A : memref<!tpu.dma_semaphore, #tpu.memory_space<semaphore_mem>>) src(%dma_wait3A_28 : memref<112x1024xf32, #tpu.memory_space<hbm>>) dst(%arg7 : memref<112x1024xf32, #tpu.memory_space<vmem>>)
      tpu.yield
    }) : () -> ()
    %dma_start3A = arith.constant 0 : i32
    %dma_start3A_17 = arith.constant 0 : i32
    %dma_start3A_18 = tpu.memref_slice %arg5[%dma_start3A, %dma_start3A_17] : memref<8320x1024xf32, #tpu.memory_space<hbm>> -> memref<8320x1024xf32, #tpu.memory_space<hbm>>
    tpu.enqueue_indirect_dma source(%arg7 : memref<112x1024xf32, #tpu.memory_space<vmem>>) target(%dma_start3A_18 : memref<8320x1024xf32, #tpu.memory_space<hbm>>) offsets(%arg6 : memref<112xi32, #tpu.memory_space<vmem>>) semaphore(%arg8 : memref<!tpu.dma_semaphore, #tpu.memory_space<semaphore_mem>>)
    %dma_wait3A = arith.constant 0 : i32
    %dma_wait3A_19 = arith.constant 0 : i32
    %dma_wait3A_20 = tpu.memref_slice %arg5[%dma_wait3A, %dma_wait3A_19] : memref<8320x1024xf32, #tpu.memory_space<hbm>> -> memref<8320x1024xf32, #tpu.memory_space<hbm>>
    tpu.wait_indirect_dma semaphore(%arg8 : memref<!tpu.dma_semaphore, #tpu.memory_space<semaphore_mem>>) src(%arg7 : memref<112x1024xf32, #tpu.memory_space<vmem>>) dst(%dma_wait3A_20 : memref<8320x1024xf32, #tpu.memory_space<hbm>>)
    return
  }
}

#map = affine_map<(d0, d1) -> (0, 0)>
#map1 = affine_map<(d0, d1) -> (0)>
module attributes {stable_mosaic.version = 14 : i64} {
  func.func @gather_k(%arg0: i32, %arg1: i32, %arg2: memref<8192x384xf32, #tpu.memory_space<hbm>>, %arg3: memref<8192x1024xf32, #tpu.memory_space<hbm>>, %arg4: memref<1792xi32, #tpu.memory_space<hbm>>, %arg5: memref<896x768xf32, #tpu.memory_space<hbm>>, %arg6: memref<1792x1024xf32, #tpu.memory_space<hbm>>, %arg7: memref<56xi32, #tpu.memory_space<vmem>>, %arg8: memref<56x384xf32, #tpu.memory_space<vmem>>, %arg9: memref<56x1024xf32, #tpu.memory_space<vmem>>, %arg10: memref<!tpu.dma_semaphore, #tpu.memory_space<semaphore_mem>>, %arg11: memref<!tpu.dma_semaphore, #tpu.memory_space<semaphore_mem>>) attributes {dimension_semantics = [#tpu.dimension_semantics<core_parallel>, #tpu.dimension_semantics<subcore_parallel>], iteration_bounds = array<i64: 2, 16>, scalar_prefetch = 0 : i64, scratch_operands = 5 : i64, tpu.core_type = #tpu.core_type<sc_vector_subcore>, window_params = [{transform_indices = #map}, {transform_indices = #map}, {transform_indices = #map1}, {transform_indices = #map}, {transform_indices = #map}]} {
    %mul3A = arith.constant 2 : i32
    %mul3A_0 = arith.muli %arg1, %mul3A : i32
    %add3A = arith.addi %mul3A_0, %arg0 : i32
    %jit3A = arith.constant 16 : i32
    %div3A = arith.divsi %add3A, %jit3A : i32
    %sign3A = arith.constant 0 : i32
    %sign3A_1 = arith.cmpi sgt, %add3A, %sign3A : i32
    %sign3A_2 = arith.extui %sign3A_1 : i1 to i32
    %sign3A_3 = arith.constant 0 : i32
    %sign3A_4 = arith.cmpi slt, %add3A, %sign3A_3 : i32
    %sign3A_5 = arith.extui %sign3A_4 : i1 to i32
    %sign3A_6 = arith.subi %sign3A_2, %sign3A_5 : i32
    %sign3A_7 = arith.constant 0 : i32
    %sign3A_8 = arith.cmpi sgt, %jit3A, %sign3A_7 : i32
    %sign3A_9 = arith.extui %sign3A_8 : i1 to i32
    %sign3A_10 = arith.constant 0 : i32
    %sign3A_11 = arith.cmpi slt, %jit3A, %sign3A_10 : i32
    %sign3A_12 = arith.extui %sign3A_11 : i1 to i32
    %sign3A_13 = arith.subi %sign3A_9, %sign3A_12 : i32
    %ne3A = arith.cmpi ne, %sign3A_6, %sign3A_13 : i32
    %rem3A = arith.remsi %add3A, %jit3A : i32
    %ne3A_14 = arith.constant 0 : i32
    %ne3A_15 = arith.cmpi ne, %rem3A, %ne3A_14 : i32
    %and3A = arith.andi %ne3A, %ne3A_15 : i1
    %sub3A = arith.constant 1 : i32
    %sub3A_16 = arith.subi %div3A, %sub3A : i32
    %select_n3A = arith.select %and3A, %sub3A_16, %div3A : i32
    %jit3A_17 = arith.constant 16 : i32
    %eq3A = arith.constant 0 : i32
    %eq3A_18 = arith.cmpi eq, %jit3A_17, %eq3A : i32
    %jit3A_19 = arith.constant 1 : i32
    %select_n3A_20 = arith.select %eq3A_18, %jit3A_19, %jit3A_17 : i32
    %rem3A_21 = arith.remsi %add3A, %select_n3A_20 : i32
    %ne3A_22 = arith.constant 0 : i32
    %ne3A_23 = arith.cmpi ne, %rem3A_21, %ne3A_22 : i32
    %lt3A = arith.constant 0 : i32
    %lt3A_24 = arith.cmpi slt, %rem3A_21, %lt3A : i32
    %lt3A_25 = arith.constant 0 : i32
    %lt3A_26 = arith.cmpi slt, %select_n3A_20, %lt3A_25 : i32
    %ne3A_27 = arith.xori %lt3A_24, %lt3A_26 : i1
    %and3A_28 = arith.andi %ne3A_27, %ne3A_23 : i1
    %add3A_29 = arith.addi %rem3A_21, %select_n3A_20 : i32
    %select_n3A_30 = arith.select %and3A_28, %add3A_29, %rem3A_21 : i32
    %mul3A_31 = arith.constant 56 : i32
    %mul3A_32 = arith.muli %select_n3A_30, %mul3A_31 : i32
    %mul3A_33 = arith.constant 56 : i32
    %mul3A_34 = arith.muli %add3A, %mul3A_33 : i32
    "tpu.region"() ({
      %run_scoped3A = tpu.sem_alloc : memref<!tpu.dma_semaphore, #tpu.memory_space<semaphore_mem>>
      %dma_start3A_49 = tpu.memref_slice %arg4[%mul3A_34] : memref<1792xi32, #tpu.memory_space<hbm>> -> memref<56xi32, #tpu.memory_space<hbm>>
      %dma_start3A_50 = tpu.memref_slice %arg4[%mul3A_34] : memref<1792xi32, #tpu.memory_space<hbm>> -> memref<56xi32, #tpu.memory_space<hbm>>
      tpu.enqueue_dma source(%dma_start3A_50 : memref<56xi32, #tpu.memory_space<hbm>>) target(%arg7 : memref<56xi32, #tpu.memory_space<vmem>>) target_semaphore(%run_scoped3A : memref<!tpu.dma_semaphore, #tpu.memory_space<semaphore_mem>>)
      %dma_wait3A_51 = tpu.memref_slice %arg4[%mul3A_34] : memref<1792xi32, #tpu.memory_space<hbm>> -> memref<56xi32, #tpu.memory_space<hbm>>
      %dma_wait3A_52 = tpu.memref_slice %arg4[%mul3A_34] : memref<1792xi32, #tpu.memory_space<hbm>> -> memref<56xi32, #tpu.memory_space<hbm>>
      tpu.wait_dma2 semaphore(%run_scoped3A : memref<!tpu.dma_semaphore, #tpu.memory_space<semaphore_mem>>) src(%dma_wait3A_52 : memref<56xi32, #tpu.memory_space<hbm>>) dst(%arg7 : memref<56xi32, #tpu.memory_space<vmem>>)
      tpu.yield
    }) : () -> ()
    %dma_start3A = arith.constant 0 : i32
    %dma_start3A_35 = arith.constant 0 : i32
    %dma_start3A_36 = tpu.memref_slice %arg2[%dma_start3A, %dma_start3A_35] : memref<8192x384xf32, #tpu.memory_space<hbm>> -> memref<8192x384xf32, #tpu.memory_space<hbm>>
    tpu.enqueue_indirect_dma source(%dma_start3A_36 : memref<8192x384xf32, #tpu.memory_space<hbm>>) target(%arg8 : memref<56x384xf32, #tpu.memory_space<vmem>>) offsets(%arg7 : memref<56xi32, #tpu.memory_space<vmem>>) semaphore(%arg10 : memref<!tpu.dma_semaphore, #tpu.memory_space<semaphore_mem>>)
    %dma_start3A_37 = arith.constant 0 : i32
    %dma_start3A_38 = arith.constant 0 : i32
    %dma_start3A_39 = tpu.memref_slice %arg3[%dma_start3A_37, %dma_start3A_38] : memref<8192x1024xf32, #tpu.memory_space<hbm>> -> memref<8192x1024xf32, #tpu.memory_space<hbm>>
    tpu.enqueue_indirect_dma source(%dma_start3A_39 : memref<8192x1024xf32, #tpu.memory_space<hbm>>) target(%arg9 : memref<56x1024xf32, #tpu.memory_space<vmem>>) offsets(%arg7 : memref<56xi32, #tpu.memory_space<vmem>>) semaphore(%arg11 : memref<!tpu.dma_semaphore, #tpu.memory_space<semaphore_mem>>)
    %dma_wait3A = arith.constant 0 : i32
    %dma_wait3A_40 = arith.constant 0 : i32
    %dma_wait3A_41 = tpu.memref_slice %arg2[%dma_wait3A, %dma_wait3A_40] : memref<8192x384xf32, #tpu.memory_space<hbm>> -> memref<8192x384xf32, #tpu.memory_space<hbm>>
    tpu.wait_indirect_dma semaphore(%arg10 : memref<!tpu.dma_semaphore, #tpu.memory_space<semaphore_mem>>) src(%dma_wait3A_41 : memref<8192x384xf32, #tpu.memory_space<hbm>>) dst(%arg8 : memref<56x384xf32, #tpu.memory_space<vmem>>)
    %dma_wait3A_42 = arith.constant 0 : i32
    %dma_wait3A_43 = arith.constant 0 : i32
    %dma_wait3A_44 = tpu.memref_slice %arg3[%dma_wait3A_42, %dma_wait3A_43] : memref<8192x1024xf32, #tpu.memory_space<hbm>> -> memref<8192x1024xf32, #tpu.memory_space<hbm>>
    tpu.wait_indirect_dma semaphore(%arg11 : memref<!tpu.dma_semaphore, #tpu.memory_space<semaphore_mem>>) src(%dma_wait3A_44 : memref<8192x1024xf32, #tpu.memory_space<hbm>>) dst(%arg9 : memref<56x1024xf32, #tpu.memory_space<vmem>>)
    %mul3A_45 = arith.constant 384 : i32
    %mul3A_46 = arith.muli %select_n3A, %mul3A_45 : i32
    "tpu.region"() ({
      %run_scoped3A = tpu.sem_alloc : memref<!tpu.dma_semaphore, #tpu.memory_space<semaphore_mem>>
      %dma_start3A_49 = tpu.memref_slice %arg5[%mul3A_32, %mul3A_46] : memref<896x768xf32, #tpu.memory_space<hbm>> -> memref<56x384xf32, #tpu.memory_space<hbm>>
      %dma_start3A_50 = tpu.memref_slice %arg5[%mul3A_32, %mul3A_46] : memref<896x768xf32, #tpu.memory_space<hbm>> -> memref<56x384xf32, #tpu.memory_space<hbm>>
      tpu.enqueue_dma source(%arg8 : memref<56x384xf32, #tpu.memory_space<vmem>>) target(%dma_start3A_50 : memref<56x384xf32, #tpu.memory_space<hbm>>) target_semaphore(%run_scoped3A : memref<!tpu.dma_semaphore, #tpu.memory_space<semaphore_mem>>)
      %dma_wait3A_51 = tpu.memref_slice %arg5[%mul3A_32, %mul3A_46] : memref<896x768xf32, #tpu.memory_space<hbm>> -> memref<56x384xf32, #tpu.memory_space<hbm>>
      %dma_wait3A_52 = tpu.memref_slice %arg5[%mul3A_32, %mul3A_46] : memref<896x768xf32, #tpu.memory_space<hbm>> -> memref<56x384xf32, #tpu.memory_space<hbm>>
      tpu.wait_dma2 semaphore(%run_scoped3A : memref<!tpu.dma_semaphore, #tpu.memory_space<semaphore_mem>>) src(%arg8 : memref<56x384xf32, #tpu.memory_space<vmem>>) dst(%dma_wait3A_52 : memref<56x384xf32, #tpu.memory_space<hbm>>)
      tpu.yield
    }) : () -> ()
    %mul3A_47 = arith.constant 56 : i32
    %mul3A_48 = arith.muli %add3A, %mul3A_47 : i32
    "tpu.region"() ({
      %run_scoped3A = tpu.sem_alloc : memref<!tpu.dma_semaphore, #tpu.memory_space<semaphore_mem>>
      %dma_start3A_49 = arith.constant 0 : i32
      %dma_start3A_50 = tpu.memref_slice %arg6[%mul3A_48, %dma_start3A_49] : memref<1792x1024xf32, #tpu.memory_space<hbm>> -> memref<56x1024xf32, #tpu.memory_space<hbm>>
      %dma_start3A_51 = arith.constant 0 : i32
      %dma_start3A_52 = tpu.memref_slice %arg6[%mul3A_48, %dma_start3A_51] : memref<1792x1024xf32, #tpu.memory_space<hbm>> -> memref<56x1024xf32, #tpu.memory_space<hbm>>
      tpu.enqueue_dma source(%arg9 : memref<56x1024xf32, #tpu.memory_space<vmem>>) target(%dma_start3A_52 : memref<56x1024xf32, #tpu.memory_space<hbm>>) target_semaphore(%run_scoped3A : memref<!tpu.dma_semaphore, #tpu.memory_space<semaphore_mem>>)
      %dma_wait3A_53 = arith.constant 0 : i32
      %dma_wait3A_54 = tpu.memref_slice %arg6[%mul3A_48, %dma_wait3A_53] : memref<1792x1024xf32, #tpu.memory_space<hbm>> -> memref<56x1024xf32, #tpu.memory_space<hbm>>
      %dma_wait3A_55 = arith.constant 0 : i32
      %dma_wait3A_56 = tpu.memref_slice %arg6[%mul3A_48, %dma_wait3A_55] : memref<1792x1024xf32, #tpu.memory_space<hbm>> -> memref<56x1024xf32, #tpu.memory_space<hbm>>
      tpu.wait_dma2 semaphore(%run_scoped3A : memref<!tpu.dma_semaphore, #tpu.memory_space<semaphore_mem>>) src(%arg9 : memref<56x1024xf32, #tpu.memory_space<vmem>>) dst(%dma_wait3A_56 : memref<56x1024xf32, #tpu.memory_space<hbm>>)
      tpu.yield
    }) : () -> ()
    return
  }
}

module attributes {stable_mosaic.version = 14 : i64} {
  func.func @_front_body(%arg0: i32, %arg1: memref<256x1024xf32, #tpu.memory_space<vmem>>, %arg2: memref<1024x384xbf16, #tpu.memory_space<vmem>>, %arg3: memref<1x384xf32, #tpu.memory_space<vmem>>, %arg4: memref<384x384xbf16, #tpu.memory_space<vmem>>, %arg5: memref<384x384xbf16, #tpu.memory_space<vmem>>, %arg6: memref<384x384xbf16, #tpu.memory_space<vmem>>, %arg7: memref<1x384xf32, #tpu.memory_space<vmem>>, %arg8: memref<1x384xf32, #tpu.memory_space<vmem>>, %arg9: memref<1x384xf32, #tpu.memory_space<vmem>>, %arg10: memref<1x1xf32, #tpu.memory_space<vmem>>, %arg11: memref<1x1024xf32, #tpu.memory_space<vmem>>, %arg12: memref<1x1024xf32, #tpu.memory_space<vmem>>, %arg13: memref<256x384xf32, #tpu.memory_space<vmem>>, %arg14: memref<1x1x256xf32, #tpu.memory_space<vmem>>) attributes {dimension_semantics = [#tpu.dimension_semantics<arbitrary>], iteration_bounds = array<i64: 32>, scalar_prefetch = 0 : i64, scratch_operands = 0 : i64, tpu.core_type = #tpu.core_type<tc>, window_params = [{transform_indices = @transform_0, window_bounds = array<i64: 256, 1024>}, {pipeline_mode = #tpu.pipeline_mode<synchronous>, transform_indices = @transform_1, window_bounds = array<i64: 1024, 384>}, {pipeline_mode = #tpu.pipeline_mode<synchronous>, transform_indices = @transform_2, window_bounds = array<i64: 1, 384>}, {pipeline_mode = #tpu.pipeline_mode<synchronous>, transform_indices = @transform_3, window_bounds = array<i64: 384, 384>}, {pipeline_mode = #tpu.pipeline_mode<synchronous>, transform_indices = @transform_4, window_bounds = array<i64: 384, 384>}, {pipeline_mode = #tpu.pipeline_mode<synchronous>, transform_indices = @transform_5, window_bounds = array<i64: 384, 384>}, {pipeline_mode = #tpu.pipeline_mode<synchronous>, transform_indices = @transform_6, window_bounds = array<i64: 1, 384>}, {pipeline_mode = #tpu.pipeline_mode<synchronous>, transform_indices = @transform_7, window_bounds = array<i64: 1, 384>}, {pipeline_mode = #tpu.pipeline_mode<synchronous>, transform_indices = @transform_8, window_bounds = array<i64: 1, 384>}, {pipeline_mode = #tpu.pipeline_mode<synchronous>, transform_indices = @transform_9, window_bounds = array<i64: 1, 1>}, {pipeline_mode = #tpu.pipeline_mode<synchronous>, transform_indices = @transform_10, window_bounds = array<i64: 1, 1024>}, {pipeline_mode = #tpu.pipeline_mode<synchronous>, transform_indices = @transform_11, window_bounds = array<i64: 1, 1024>}, {transform_indices = @transform_12, window_bounds = array<i64: 256, 384>}, {transform_indices = @transform_13, window_bounds = array<i64: 1, 1, 256>}]} {
    %get3A = arith.constant 0 : index
    %get3A_0 = arith.constant 0 : index
    %get3A_1 = vector.load %arg1[%get3A, %get3A_0] : memref<256x1024xf32, #tpu.memory_space<vmem>>, vector<256x1024xf32>
    %get3A_2 = arith.constant 0 : index
    %get3A_3 = arith.constant 0 : index
    %get3A_4 = vector.load %arg10[%get3A_2, %get3A_3] : memref<1x1xf32, #tpu.memory_space<vmem>>, vector<1x1xf32>
    %mul3A = vector.broadcast %get3A_4 : vector<1x1xf32> to vector<256x1024xf32>
    %mul3A_5 = arith.mulf %get3A_1, %mul3A : vector<256x1024xf32>
    %tanh3A = math.tanh %mul3A_5 : vector<256x1024xf32>
    %get3A_6 = arith.constant 0 : index
    %get3A_7 = arith.constant 0 : index
    %get3A_8 = vector.load %arg11[%get3A_6, %get3A_7] : memref<1x1024xf32, #tpu.memory_space<vmem>>, vector<1x1024xf32>
    %mul3A_9 = vector.broadcast %get3A_8 : vector<1x1024xf32> to vector<256x1024xf32>
    %mul3A_10 = arith.mulf %tanh3A, %mul3A_9 : vector<256x1024xf32>
    %get3A_11 = arith.constant 0 : index
    %get3A_12 = arith.constant 0 : index
    %get3A_13 = vector.load %arg12[%get3A_11, %get3A_12] : memref<1x1024xf32, #tpu.memory_space<vmem>>, vector<1x1024xf32>
    %add3A = vector.broadcast %get3A_13 : vector<1x1024xf32> to vector<256x1024xf32>
    %add3A_14 = arith.addf %mul3A_10, %add3A : vector<256x1024xf32>
    %convert_element_type3A = arith.truncf %add3A_14 : vector<256x1024xf32> to vector<256x1024xbf16>
    %get3A_15 = arith.constant 0 : index
    %get3A_16 = arith.constant 0 : index
    %get3A_17 = vector.load %arg2[%get3A_15, %get3A_16] : memref<1024x384xbf16, #tpu.memory_space<vmem>>, vector<1024x384xbf16>
    %dot_general3A = arith.constant dense<0.000000e+00> : vector<256x384xf32>
    %dot_general3A_18 = tpu.matmul %convert_element_type3A, %get3A_17, %dot_general3A {dimension_numbers = #tpu.dot_dimension_numbers<[1], [0], [0], [1], [0, 0, 1, 1], [], []>, transpose_lhs_hint = false} : vector<256x1024xbf16>, vector<1024x384xbf16>, vector<256x384xf32> -> vector<256x384xf32>
    %get3A_19 = arith.constant 0 : index
    %get3A_20 = arith.constant 0 : index
    %get3A_21 = vector.load %arg3[%get3A_19, %get3A_20] : memref<1x384xf32, #tpu.memory_space<vmem>>, vector<1x384xf32>
    %add3A_22 = vector.broadcast %get3A_21 : vector<1x384xf32> to vector<256x384xf32>
    %add3A_23 = arith.addf %dot_general3A_18, %add3A_22 : vector<256x384xf32>
    %broadcast_in_dim3A = arith.constant 1.000000e+00 : f32
    %broadcast_in_dim3A_24 = vector.broadcast %broadcast_in_dim3A : f32 to vector<384x8xf32>
    %iota3A = tpu.iota {dimensions = array<i32: 0>} : vector<384x8xi32>
    %jit3A = arith.constant 64 : i32
    %div3A = vector.broadcast %jit3A : i32 to vector<384x8xi32>
    %div3A_25 = arith.divsi %iota3A, %div3A : vector<384x8xi32>
    %sign3A = arith.constant 0 : i32
    %sign3A_26 = vector.broadcast %sign3A : i32 to vector<384x8xi32>
    %sign3A_27 = arith.cmpi sgt, %iota3A, %sign3A_26 : vector<384x8xi32>
    %sign3A_28 = arith.extui %sign3A_27 : vector<384x8xi1> to vector<384x8xi32>
    %sign3A_29 = arith.constant 0 : i32
    %sign3A_30 = vector.broadcast %sign3A_29 : i32 to vector<384x8xi32>
    %sign3A_31 = arith.cmpi slt, %iota3A, %sign3A_30 : vector<384x8xi32>
    %sign3A_32 = arith.extui %sign3A_31 : vector<384x8xi1> to vector<384x8xi32>
    %sign3A_33 = arith.subi %sign3A_28, %sign3A_32 : vector<384x8xi32>
    %sign3A_34 = arith.constant 0 : i32
    %sign3A_35 = arith.cmpi sgt, %jit3A, %sign3A_34 : i32
    %sign3A_36 = arith.extui %sign3A_35 : i1 to i32
    %sign3A_37 = arith.constant 0 : i32
    %sign3A_38 = arith.cmpi slt, %jit3A, %sign3A_37 : i32
    %sign3A_39 = arith.extui %sign3A_38 : i1 to i32
    %sign3A_40 = arith.subi %sign3A_36, %sign3A_39 : i32
    %ne3A = vector.broadcast %sign3A_40 : i32 to vector<384x8xi32>
    %ne3A_41 = arith.cmpi ne, %sign3A_33, %ne3A : vector<384x8xi32>
    %rem3A = vector.broadcast %jit3A : i32 to vector<384x8xi32>
    %rem3A_42 = arith.remsi %iota3A, %rem3A : vector<384x8xi32>
    %ne3A_43 = arith.constant 0 : i32
    %ne3A_44 = vector.broadcast %ne3A_43 : i32 to vector<384x8xi32>
    %ne3A_45 = arith.cmpi ne, %rem3A_42, %ne3A_44 : vector<384x8xi32>
    %and3A = arith.andi %ne3A_41, %ne3A_45 : vector<384x8xi1>
    %sub3A = arith.constant 1 : i32
    %sub3A_46 = vector.broadcast %sub3A : i32 to vector<384x8xi32>
    %sub3A_47 = arith.subi %div3A_25, %sub3A_46 : vector<384x8xi32>
    %select_n3A = arith.select %and3A, %sub3A_47, %div3A_25 : vector<384x8xi1>, vector<384x8xi32>
    %iota3A_48 = tpu.iota {dimensions = array<i32: 1>} : vector<384x8xi32>
    %eq3A = arith.cmpi eq, %select_n3A, %iota3A_48 : vector<384x8xi32>
    %convert_element_type3A_49 = arith.extui %eq3A : vector<384x8xi1> to vector<384x8xi32>
    %convert_element_type3A_50 = arith.sitofp %convert_element_type3A_49 : vector<384x8xi32> to vector<384x8xf32>
    %mul3A_51 = arith.mulf %add3A_23, %add3A_23 : vector<256x384xf32>
    %dot_general3A_52 = arith.constant dense<0.000000e+00> : vector<256x8xf32>
    %dot_general3A_53 = tpu.matmul %mul3A_51, %broadcast_in_dim3A_24, %dot_general3A_52 {dimension_numbers = #tpu.dot_dimension_numbers<[1], [0], [0], [1], [0, 0, 1, 1], [], []>, transpose_lhs_hint = false} : vector<256x384xf32>, vector<384x8xf32>, vector<256x8xf32> -> vector<256x8xf32>
    %slice3A = vector.extract_strided_slice %dot_general3A_53 {offsets = [0, 0], sizes = [256, 1], strides = [1, 1]} : vector<256x8xf32> to vector<256x1xf32>
    %sqrt3A = math.sqrt %slice3A : vector<256x1xf32>
    %max3A = arith.constant 9.99999996E-13 : f32
    %max3A_54 = vector.broadcast %max3A : f32 to vector<256x1xf32>
    %max3A_55 = arith.maximumf %sqrt3A, %max3A_54 : vector<256x1xf32>
    %div3A_56 = vector.broadcast %max3A_55 : vector<256x1xf32> to vector<256x384xf32>
    %div3A_57 = arith.divf %add3A_23, %div3A_56 : vector<256x384xf32>
    %convert_element_type3A_58 = arith.truncf %div3A_57 : vector<256x384xf32> to vector<256x384xbf16>
    %get3A_59 = arith.constant 0 : index
    %get3A_60 = arith.constant 0 : index
    %get3A_61 = vector.load %arg4[%get3A_59, %get3A_60] : memref<384x384xbf16, #tpu.memory_space<vmem>>, vector<384x384xbf16>
    %dot_general3A_62 = arith.constant dense<0.000000e+00> : vector<256x384xf32>
    %dot_general3A_63 = tpu.matmul %convert_element_type3A_58, %get3A_61, %dot_general3A_62 {dimension_numbers = #tpu.dot_dimension_numbers<[1], [0], [0], [1], [0, 0, 1, 1], [], []>, transpose_lhs_hint = false} : vector<256x384xbf16>, vector<384x384xbf16>, vector<256x384xf32> -> vector<256x384xf32>
    %get3A_64 = arith.constant 0 : index
    %get3A_65 = arith.constant 0 : index
    %get3A_66 = vector.load %arg7[%get3A_64, %get3A_65] : memref<1x384xf32, #tpu.memory_space<vmem>>, vector<1x384xf32>
    %add3A_67 = vector.broadcast %get3A_66 : vector<1x384xf32> to vector<256x384xf32>
    %add3A_68 = arith.addf %dot_general3A_63, %add3A_67 : vector<256x384xf32>
    %get3A_69 = arith.constant 0 : index
    %get3A_70 = arith.constant 0 : index
    %get3A_71 = vector.load %arg5[%get3A_69, %get3A_70] : memref<384x384xbf16, #tpu.memory_space<vmem>>, vector<384x384xbf16>
    %dot_general3A_72 = arith.constant dense<0.000000e+00> : vector<256x384xf32>
    %dot_general3A_73 = tpu.matmul %convert_element_type3A_58, %get3A_71, %dot_general3A_72 {dimension_numbers = #tpu.dot_dimension_numbers<[1], [0], [0], [1], [0, 0, 1, 1], [], []>, transpose_lhs_hint = false} : vector<256x384xbf16>, vector<384x384xbf16>, vector<256x384xf32> -> vector<256x384xf32>
    %get3A_74 = arith.constant 0 : index
    %get3A_75 = arith.constant 0 : index
    %get3A_76 = vector.load %arg8[%get3A_74, %get3A_75] : memref<1x384xf32, #tpu.memory_space<vmem>>, vector<1x384xf32>
    %add3A_77 = vector.broadcast %get3A_76 : vector<1x384xf32> to vector<256x384xf32>
    %add3A_78 = arith.addf %dot_general3A_73, %add3A_77 : vector<256x384xf32>
    %get3A_79 = arith.constant 0 : index
    %get3A_80 = arith.constant 0 : index
    %get3A_81 = vector.load %arg6[%get3A_79, %get3A_80] : memref<384x384xbf16, #tpu.memory_space<vmem>>, vector<384x384xbf16>
    %dot_general3A_82 = arith.constant dense<0.000000e+00> : vector<256x384xf32>
    %dot_general3A_83 = tpu.matmul %convert_element_type3A_58, %get3A_81, %dot_general3A_82 {dimension_numbers = #tpu.dot_dimension_numbers<[1], [0], [0], [1], [0, 0, 1, 1], [], []>, transpose_lhs_hint = false} : vector<256x384xbf16>, vector<384x384xbf16>, vector<256x384xf32> -> vector<256x384xf32>
    %get3A_84 = arith.constant 0 : index
    %get3A_85 = arith.constant 0 : index
    %get3A_86 = vector.load %arg9[%get3A_84, %get3A_85] : memref<1x384xf32, #tpu.memory_space<vmem>>, vector<1x384xf32>
    %add3A_87 = vector.broadcast %get3A_86 : vector<1x384xf32> to vector<256x384xf32>
    %add3A_88 = arith.addf %dot_general3A_83, %add3A_87 : vector<256x384xf32>
    %slice3A_89 = vector.extract_strided_slice %add3A_78 {offsets = [0, 0], sizes = [256, 64], strides = [1, 1]} : vector<256x384xf32> to vector<256x64xf32>
    %concatenate3A = tpu.concatenate %slice3A_89, %slice3A_89, %slice3A_89, %slice3A_89, %slice3A_89, %slice3A_89 in 1 : vector<256x64xf32>, vector<256x64xf32>, vector<256x64xf32>, vector<256x64xf32>, vector<256x64xf32>, vector<256x64xf32> -> vector<256x384xf32>
    %mul3A_90 = arith.mulf %add3A_68, %concatenate3A : vector<256x384xf32>
    %dot_general3A_91 = arith.constant dense<0.000000e+00> : vector<256x8xf32>
    %dot_general3A_92 = tpu.matmul %mul3A_90, %convert_element_type3A_50, %dot_general3A_91 {dimension_numbers = #tpu.dot_dimension_numbers<[1], [0], [0], [1], [0, 0, 1, 1], [], []>, transpose_lhs_hint = false} : vector<256x384xf32>, vector<384x8xf32>, vector<256x8xf32> -> vector<256x8xf32>
    %slice3A_93 = vector.extract_strided_slice %add3A_78 {offsets = [0, 64], sizes = [256, 64], strides = [1, 1]} : vector<256x384xf32> to vector<256x64xf32>
    %concatenate3A_94 = tpu.concatenate %slice3A_93, %slice3A_93, %slice3A_93, %slice3A_93, %slice3A_93, %slice3A_93 in 1 : vector<256x64xf32>, vector<256x64xf32>, vector<256x64xf32>, vector<256x64xf32>, vector<256x64xf32>, vector<256x64xf32> -> vector<256x384xf32>
    %mul3A_95 = arith.mulf %add3A_68, %concatenate3A_94 : vector<256x384xf32>
    %dot_general3A_96 = arith.constant dense<0.000000e+00> : vector<256x8xf32>
    %dot_general3A_97 = tpu.matmul %mul3A_95, %convert_element_type3A_50, %dot_general3A_96 {dimension_numbers = #tpu.dot_dimension_numbers<[1], [0], [0], [1], [0, 0, 1, 1], [], []>, transpose_lhs_hint = false} : vector<256x384xf32>, vector<384x8xf32>, vector<256x8xf32> -> vector<256x8xf32>
    %slice3A_98 = vector.extract_strided_slice %add3A_78 {offsets = [0, 128], sizes = [256, 64], strides = [1, 1]} : vector<256x384xf32> to vector<256x64xf32>
    %concatenate3A_99 = tpu.concatenate %slice3A_98, %slice3A_98, %slice3A_98, %slice3A_98, %slice3A_98, %slice3A_98 in 1 : vector<256x64xf32>, vector<256x64xf32>, vector<256x64xf32>, vector<256x64xf32>, vector<256x64xf32>, vector<256x64xf32> -> vector<256x384xf32>
    %mul3A_100 = arith.mulf %add3A_68, %concatenate3A_99 : vector<256x384xf32>
    %dot_general3A_101 = arith.constant dense<0.000000e+00> : vector<256x8xf32>
    %dot_general3A_102 = tpu.matmul %mul3A_100, %convert_element_type3A_50, %dot_general3A_101 {dimension_numbers = #tpu.dot_dimension_numbers<[1], [0], [0], [1], [0, 0, 1, 1], [], []>, transpose_lhs_hint = false} : vector<256x384xf32>, vector<384x8xf32>, vector<256x8xf32> -> vector<256x8xf32>
    %slice3A_103 = vector.extract_strided_slice %add3A_78 {offsets = [0, 192], sizes = [256, 64], strides = [1, 1]} : vector<256x384xf32> to vector<256x64xf32>
    %concatenate3A_104 = tpu.concatenate %slice3A_103, %slice3A_103, %slice3A_103, %slice3A_103, %slice3A_103, %slice3A_103 in 1 : vector<256x64xf32>, vector<256x64xf32>, vector<256x64xf32>, vector<256x64xf32>, vector<256x64xf32>, vector<256x64xf32> -> vector<256x384xf32>
    %mul3A_105 = arith.mulf %add3A_68, %concatenate3A_104 : vector<256x384xf32>
    %dot_general3A_106 = arith.constant dense<0.000000e+00> : vector<256x8xf32>
    %dot_general3A_107 = tpu.matmul %mul3A_105, %convert_element_type3A_50, %dot_general3A_106 {dimension_numbers = #tpu.dot_dimension_numbers<[1], [0], [0], [1], [0, 0, 1, 1], [], []>, transpose_lhs_hint = false} : vector<256x384xf32>, vector<384x8xf32>, vector<256x8xf32> -> vector<256x8xf32>
    %slice3A_108 = vector.extract_strided_slice %add3A_78 {offsets = [0, 256], sizes = [256, 64], strides = [1, 1]} : vector<256x384xf32> to vector<256x64xf32>
    %concatenate3A_109 = tpu.concatenate %slice3A_108, %slice3A_108, %slice3A_108, %slice3A_108, %slice3A_108, %slice3A_108 in 1 : vector<256x64xf32>, vector<256x64xf32>, vector<256x64xf32>, vector<256x64xf32>, vector<256x64xf32>, vector<256x64xf32> -> vector<256x384xf32>
    %mul3A_110 = arith.mulf %add3A_68, %concatenate3A_109 : vector<256x384xf32>
    %dot_general3A_111 = arith.constant dense<0.000000e+00> : vector<256x8xf32>
    %dot_general3A_112 = tpu.matmul %mul3A_110, %convert_element_type3A_50, %dot_general3A_111 {dimension_numbers = #tpu.dot_dimension_numbers<[1], [0], [0], [1], [0, 0, 1, 1], [], []>, transpose_lhs_hint = false} : vector<256x384xf32>, vector<384x8xf32>, vector<256x8xf32> -> vector<256x8xf32>
    %slice3A_113 = vector.extract_strided_slice %add3A_78 {offsets = [0, 320], sizes = [256, 64], strides = [1, 1]} : vector<256x384xf32> to vector<256x64xf32>
    %concatenate3A_114 = tpu.concatenate %slice3A_113, %slice3A_113, %slice3A_113, %slice3A_113, %slice3A_113, %slice3A_113 in 1 : vector<256x64xf32>, vector<256x64xf32>, vector<256x64xf32>, vector<256x64xf32>, vector<256x64xf32>, vector<256x64xf32> -> vector<256x384xf32>
    %mul3A_115 = arith.mulf %add3A_68, %concatenate3A_114 : vector<256x384xf32>
    %dot_general3A_116 = arith.constant dense<0.000000e+00> : vector<256x8xf32>
    %dot_general3A_117 = tpu.matmul %mul3A_115, %convert_element_type3A_50, %dot_general3A_116 {dimension_numbers = #tpu.dot_dimension_numbers<[1], [0], [0], [1], [0, 0, 1, 1], [], []>, transpose_lhs_hint = false} : vector<256x384xf32>, vector<384x8xf32>, vector<256x8xf32> -> vector<256x8xf32>
    %gt3A = arith.cmpf ogt, %dot_general3A_97, %dot_general3A_92 : vector<256x8xf32>
    %select_n3A_118 = arith.select %gt3A, %dot_general3A_97, %dot_general3A_92 : vector<256x8xi1>, vector<256x8xf32>
    %gt3A_119 = arith.cmpf ogt, %dot_general3A_102, %select_n3A_118 : vector<256x8xf32>
    %select_n3A_120 = arith.select %gt3A_119, %dot_general3A_102, %select_n3A_118 : vector<256x8xi1>, vector<256x8xf32>
    %gt3A_121 = arith.cmpf ogt, %dot_general3A_107, %select_n3A_120 : vector<256x8xf32>
    %select_n3A_122 = arith.select %gt3A_121, %dot_general3A_107, %select_n3A_120 : vector<256x8xi1>, vector<256x8xf32>
    %gt3A_123 = arith.cmpf ogt, %dot_general3A_112, %select_n3A_122 : vector<256x8xf32>
    %select_n3A_124 = arith.select %gt3A_123, %dot_general3A_112, %select_n3A_122 : vector<256x8xi1>, vector<256x8xf32>
    %gt3A_125 = arith.cmpf ogt, %dot_general3A_117, %select_n3A_124 : vector<256x8xf32>
    %slice3A_126 = vector.extract_strided_slice %add3A_88 {offsets = [0, 0], sizes = [256, 64], strides = [1, 1]} : vector<256x384xf32> to vector<256x64xf32>
    %slice3A_127 = vector.extract_strided_slice %gt3A {offsets = [0, 0], sizes = [256, 1], strides = [1, 1]} : vector<256x8xi1> to vector<256x1xi1>
    %slice3A_128 = vector.extract_strided_slice %add3A_88 {offsets = [0, 64], sizes = [256, 64], strides = [1, 1]} : vector<256x384xf32> to vector<256x64xf32>
    %broadcast_in_dim3A_129 = vector.shape_cast %slice3A_127 : vector<256x1xi1> to vector<256x1xi1>
    %broadcast_in_dim3A_130 = vector.broadcast %broadcast_in_dim3A_129 : vector<256x1xi1> to vector<256x64xi1>
    %select_n3A_131 = arith.select %broadcast_in_dim3A_130, %slice3A_128, %slice3A_126 : vector<256x64xi1>, vector<256x64xf32>
    %slice3A_132 = vector.extract_strided_slice %gt3A_119 {offsets = [0, 0], sizes = [256, 1], strides = [1, 1]} : vector<256x8xi1> to vector<256x1xi1>
    %slice3A_133 = vector.extract_strided_slice %add3A_88 {offsets = [0, 128], sizes = [256, 64], strides = [1, 1]} : vector<256x384xf32> to vector<256x64xf32>
    %broadcast_in_dim3A_134 = vector.shape_cast %slice3A_132 : vector<256x1xi1> to vector<256x1xi1>
    %broadcast_in_dim3A_135 = vector.broadcast %broadcast_in_dim3A_134 : vector<256x1xi1> to vector<256x64xi1>
    %select_n3A_136 = arith.select %broadcast_in_dim3A_135, %slice3A_133, %select_n3A_131 : vector<256x64xi1>, vector<256x64xf32>
    %slice3A_137 = vector.extract_strided_slice %gt3A_121 {offsets = [0, 0], sizes = [256, 1], strides = [1, 1]} : vector<256x8xi1> to vector<256x1xi1>
    %slice3A_138 = vector.extract_strided_slice %add3A_88 {offsets = [0, 192], sizes = [256, 64], strides = [1, 1]} : vector<256x384xf32> to vector<256x64xf32>
    %broadcast_in_dim3A_139 = vector.shape_cast %slice3A_137 : vector<256x1xi1> to vector<256x1xi1>
    %broadcast_in_dim3A_140 = vector.broadcast %broadcast_in_dim3A_139 : vector<256x1xi1> to vector<256x64xi1>
    %select_n3A_141 = arith.select %broadcast_in_dim3A_140, %slice3A_138, %select_n3A_136 : vector<256x64xi1>, vector<256x64xf32>
    %slice3A_142 = vector.extract_strided_slice %gt3A_123 {offsets = [0, 0], sizes = [256, 1], strides = [1, 1]} : vector<256x8xi1> to vector<256x1xi1>
    %slice3A_143 = vector.extract_strided_slice %add3A_88 {offsets = [0, 256], sizes = [256, 64], strides = [1, 1]} : vector<256x384xf32> to vector<256x64xf32>
    %broadcast_in_dim3A_144 = vector.shape_cast %slice3A_142 : vector<256x1xi1> to vector<256x1xi1>
    %broadcast_in_dim3A_145 = vector.broadcast %broadcast_in_dim3A_144 : vector<256x1xi1> to vector<256x64xi1>
    %select_n3A_146 = arith.select %broadcast_in_dim3A_145, %slice3A_143, %select_n3A_141 : vector<256x64xi1>, vector<256x64xf32>
    %slice3A_147 = vector.extract_strided_slice %gt3A_125 {offsets = [0, 0], sizes = [256, 1], strides = [1, 1]} : vector<256x8xi1> to vector<256x1xi1>
    %slice3A_148 = vector.extract_strided_slice %add3A_88 {offsets = [0, 320], sizes = [256, 64], strides = [1, 1]} : vector<256x384xf32> to vector<256x64xf32>
    %broadcast_in_dim3A_149 = vector.shape_cast %slice3A_147 : vector<256x1xi1> to vector<256x1xi1>
    %broadcast_in_dim3A_150 = vector.broadcast %broadcast_in_dim3A_149 : vector<256x1xi1> to vector<256x64xi1>
    %select_n3A_151 = arith.select %broadcast_in_dim3A_150, %slice3A_148, %select_n3A_146 : vector<256x64xi1>, vector<256x64xf32>
    %slice3A_152 = vector.extract_strided_slice %add3A_88 {offsets = [0, 0], sizes = [256, 64], strides = [1, 1]} : vector<256x384xf32> to vector<256x64xf32>
    %slice3A_153 = vector.extract_strided_slice %gt3A {offsets = [0, 1], sizes = [256, 1], strides = [1, 1]} : vector<256x8xi1> to vector<256x1xi1>
    %slice3A_154 = vector.extract_strided_slice %add3A_88 {offsets = [0, 64], sizes = [256, 64], strides = [1, 1]} : vector<256x384xf32> to vector<256x64xf32>
    %broadcast_in_dim3A_155 = vector.shape_cast %slice3A_153 : vector<256x1xi1> to vector<256x1xi1>
    %broadcast_in_dim3A_156 = vector.broadcast %broadcast_in_dim3A_155 : vector<256x1xi1> to vector<256x64xi1>
    %select_n3A_157 = arith.select %broadcast_in_dim3A_156, %slice3A_154, %slice3A_152 : vector<256x64xi1>, vector<256x64xf32>
    %slice3A_158 = vector.extract_strided_slice %gt3A_119 {offsets = [0, 1], sizes = [256, 1], strides = [1, 1]} : vector<256x8xi1> to vector<256x1xi1>
    %slice3A_159 = vector.extract_strided_slice %add3A_88 {offsets = [0, 128], sizes = [256, 64], strides = [1, 1]} : vector<256x384xf32> to vector<256x64xf32>
    %broadcast_in_dim3A_160 = vector.shape_cast %slice3A_158 : vector<256x1xi1> to vector<256x1xi1>
    %broadcast_in_dim3A_161 = vector.broadcast %broadcast_in_dim3A_160 : vector<256x1xi1> to vector<256x64xi1>
    %select_n3A_162 = arith.select %broadcast_in_dim3A_161, %slice3A_159, %select_n3A_157 : vector<256x64xi1>, vector<256x64xf32>
    %slice3A_163 = vector.extract_strided_slice %gt3A_121 {offsets = [0, 1], sizes = [256, 1], strides = [1, 1]} : vector<256x8xi1> to vector<256x1xi1>
    %slice3A_164 = vector.extract_strided_slice %add3A_88 {offsets = [0, 192], sizes = [256, 64], strides = [1, 1]} : vector<256x384xf32> to vector<256x64xf32>
    %broadcast_in_dim3A_165 = vector.shape_cast %slice3A_163 : vector<256x1xi1> to vector<256x1xi1>
    %broadcast_in_dim3A_166 = vector.broadcast %broadcast_in_dim3A_165 : vector<256x1xi1> to vector<256x64xi1>
    %select_n3A_167 = arith.select %broadcast_in_dim3A_166, %slice3A_164, %select_n3A_162 : vector<256x64xi1>, vector<256x64xf32>
    %slice3A_168 = vector.extract_strided_slice %gt3A_123 {offsets = [0, 1], sizes = [256, 1], strides = [1, 1]} : vector<256x8xi1> to vector<256x1xi1>
    %slice3A_169 = vector.extract_strided_slice %add3A_88 {offsets = [0, 256], sizes = [256, 64], strides = [1, 1]} : vector<256x384xf32> to vector<256x64xf32>
    %broadcast_in_dim3A_170 = vector.shape_cast %slice3A_168 : vector<256x1xi1> to vector<256x1xi1>
    %broadcast_in_dim3A_171 = vector.broadcast %broadcast_in_dim3A_170 : vector<256x1xi1> to vector<256x64xi1>
    %select_n3A_172 = arith.select %broadcast_in_dim3A_171, %slice3A_169, %select_n3A_167 : vector<256x64xi1>, vector<256x64xf32>
    %slice3A_173 = vector.extract_strided_slice %gt3A_125 {offsets = [0, 1], sizes = [256, 1], strides = [1, 1]} : vector<256x8xi1> to vector<256x1xi1>
    %slice3A_174 = vector.extract_strided_slice %add3A_88 {offsets = [0, 320], sizes = [256, 64], strides = [1, 1]} : vector<256x384xf32> to vector<256x64xf32>
    %broadcast_in_dim3A_175 = vector.shape_cast %slice3A_173 : vector<256x1xi1> to vector<256x1xi1>
    %broadcast_in_dim3A_176 = vector.broadcast %broadcast_in_dim3A_175 : vector<256x1xi1> to vector<256x64xi1>
    %select_n3A_177 = arith.select %broadcast_in_dim3A_176, %slice3A_174, %select_n3A_172 : vector<256x64xi1>, vector<256x64xf32>
    %slice3A_178 = vector.extract_strided_slice %add3A_88 {offsets = [0, 0], sizes = [256, 64], strides = [1, 1]} : vector<256x384xf32> to vector<256x64xf32>
    %slice3A_179 = vector.extract_strided_slice %gt3A {offsets = [0, 2], sizes = [256, 1], strides = [1, 1]} : vector<256x8xi1> to vector<256x1xi1>
    %slice3A_180 = vector.extract_strided_slice %add3A_88 {offsets = [0, 64], sizes = [256, 64], strides = [1, 1]} : vector<256x384xf32> to vector<256x64xf32>
    %broadcast_in_dim3A_181 = vector.shape_cast %slice3A_179 : vector<256x1xi1> to vector<256x1xi1>
    %broadcast_in_dim3A_182 = vector.broadcast %broadcast_in_dim3A_181 : vector<256x1xi1> to vector<256x64xi1>
    %select_n3A_183 = arith.select %broadcast_in_dim3A_182, %slice3A_180, %slice3A_178 : vector<256x64xi1>, vector<256x64xf32>
    %slice3A_184 = vector.extract_strided_slice %gt3A_119 {offsets = [0, 2], sizes = [256, 1], strides = [1, 1]} : vector<256x8xi1> to vector<256x1xi1>
    %slice3A_185 = vector.extract_strided_slice %add3A_88 {offsets = [0, 128], sizes = [256, 64], strides = [1, 1]} : vector<256x384xf32> to vector<256x64xf32>
    %broadcast_in_dim3A_186 = vector.shape_cast %slice3A_184 : vector<256x1xi1> to vector<256x1xi1>
    %broadcast_in_dim3A_187 = vector.broadcast %broadcast_in_dim3A_186 : vector<256x1xi1> to vector<256x64xi1>
    %select_n3A_188 = arith.select %broadcast_in_dim3A_187, %slice3A_185, %select_n3A_183 : vector<256x64xi1>, vector<256x64xf32>
    %slice3A_189 = vector.extract_strided_slice %gt3A_121 {offsets = [0, 2], sizes = [256, 1], strides = [1, 1]} : vector<256x8xi1> to vector<256x1xi1>
    %slice3A_190 = vector.extract_strided_slice %add3A_88 {offsets = [0, 192], sizes = [256, 64], strides = [1, 1]} : vector<256x384xf32> to vector<256x64xf32>
    %broadcast_in_dim3A_191 = vector.shape_cast %slice3A_189 : vector<256x1xi1> to vector<256x1xi1>
    %broadcast_in_dim3A_192 = vector.broadcast %broadcast_in_dim3A_191 : vector<256x1xi1> to vector<256x64xi1>
    %select_n3A_193 = arith.select %broadcast_in_dim3A_192, %slice3A_190, %select_n3A_188 : vector<256x64xi1>, vector<256x64xf32>
    %slice3A_194 = vector.extract_strided_slice %gt3A_123 {offsets = [0, 2], sizes = [256, 1], strides = [1, 1]} : vector<256x8xi1> to vector<256x1xi1>
    %slice3A_195 = vector.extract_strided_slice %add3A_88 {offsets = [0, 256], sizes = [256, 64], strides = [1, 1]} : vector<256x384xf32> to vector<256x64xf32>
    %broadcast_in_dim3A_196 = vector.shape_cast %slice3A_194 : vector<256x1xi1> to vector<256x1xi1>
    %broadcast_in_dim3A_197 = vector.broadcast %broadcast_in_dim3A_196 : vector<256x1xi1> to vector<256x64xi1>
    %select_n3A_198 = arith.select %broadcast_in_dim3A_197, %slice3A_195, %select_n3A_193 : vector<256x64xi1>, vector<256x64xf32>
    %slice3A_199 = vector.extract_strided_slice %gt3A_125 {offsets = [0, 2], sizes = [256, 1], strides = [1, 1]} : vector<256x8xi1> to vector<256x1xi1>
    %slice3A_200 = vector.extract_strided_slice %add3A_88 {offsets = [0, 320], sizes = [256, 64], strides = [1, 1]} : vector<256x384xf32> to vector<256x64xf32>
    %broadcast_in_dim3A_201 = vector.shape_cast %slice3A_199 : vector<256x1xi1> to vector<256x1xi1>
    %broadcast_in_dim3A_202 = vector.broadcast %broadcast_in_dim3A_201 : vector<256x1xi1> to vector<256x64xi1>
    %select_n3A_203 = arith.select %broadcast_in_dim3A_202, %slice3A_200, %select_n3A_198 : vector<256x64xi1>, vector<256x64xf32>
    %slice3A_204 = vector.extract_strided_slice %add3A_88 {offsets = [0, 0], sizes = [256, 64], strides = [1, 1]} : vector<256x384xf32> to vector<256x64xf32>
    %slice3A_205 = vector.extract_strided_slice %gt3A {offsets = [0, 3], sizes = [256, 1], strides = [1, 1]} : vector<256x8xi1> to vector<256x1xi1>
    %slice3A_206 = vector.extract_strided_slice %add3A_88 {offsets = [0, 64], sizes = [256, 64], strides = [1, 1]} : vector<256x384xf32> to vector<256x64xf32>
    %broadcast_in_dim3A_207 = vector.shape_cast %slice3A_205 : vector<256x1xi1> to vector<256x1xi1>
    %broadcast_in_dim3A_208 = vector.broadcast %broadcast_in_dim3A_207 : vector<256x1xi1> to vector<256x64xi1>
    %select_n3A_209 = arith.select %broadcast_in_dim3A_208, %slice3A_206, %slice3A_204 : vector<256x64xi1>, vector<256x64xf32>
    %slice3A_210 = vector.extract_strided_slice %gt3A_119 {offsets = [0, 3], sizes = [256, 1], strides = [1, 1]} : vector<256x8xi1> to vector<256x1xi1>
    %slice3A_211 = vector.extract_strided_slice %add3A_88 {offsets = [0, 128], sizes = [256, 64], strides = [1, 1]} : vector<256x384xf32> to vector<256x64xf32>
    %broadcast_in_dim3A_212 = vector.shape_cast %slice3A_210 : vector<256x1xi1> to vector<256x1xi1>
    %broadcast_in_dim3A_213 = vector.broadcast %broadcast_in_dim3A_212 : vector<256x1xi1> to vector<256x64xi1>
    %select_n3A_214 = arith.select %broadcast_in_dim3A_213, %slice3A_211, %select_n3A_209 : vector<256x64xi1>, vector<256x64xf32>
    %slice3A_215 = vector.extract_strided_slice %gt3A_121 {offsets = [0, 3], sizes = [256, 1], strides = [1, 1]} : vector<256x8xi1> to vector<256x1xi1>
    %slice3A_216 = vector.extract_strided_slice %add3A_88 {offsets = [0, 192], sizes = [256, 64], strides = [1, 1]} : vector<256x384xf32> to vector<256x64xf32>
    %broadcast_in_dim3A_217 = vector.shape_cast %slice3A_215 : vector<256x1xi1> to vector<256x1xi1>
    %broadcast_in_dim3A_218 = vector.broadcast %broadcast_in_dim3A_217 : vector<256x1xi1> to vector<256x64xi1>
    %select_n3A_219 = arith.select %broadcast_in_dim3A_218, %slice3A_216, %select_n3A_214 : vector<256x64xi1>, vector<256x64xf32>
    %slice3A_220 = vector.extract_strided_slice %gt3A_123 {offsets = [0, 3], sizes = [256, 1], strides = [1, 1]} : vector<256x8xi1> to vector<256x1xi1>
    %slice3A_221 = vector.extract_strided_slice %add3A_88 {offsets = [0, 256], sizes = [256, 64], strides = [1, 1]} : vector<256x384xf32> to vector<256x64xf32>
    %broadcast_in_dim3A_222 = vector.shape_cast %slice3A_220 : vector<256x1xi1> to vector<256x1xi1>
    %broadcast_in_dim3A_223 = vector.broadcast %broadcast_in_dim3A_222 : vector<256x1xi1> to vector<256x64xi1>
    %select_n3A_224 = arith.select %broadcast_in_dim3A_223, %slice3A_221, %select_n3A_219 : vector<256x64xi1>, vector<256x64xf32>
    %slice3A_225 = vector.extract_strided_slice %gt3A_125 {offsets = [0, 3], sizes = [256, 1], strides = [1, 1]} : vector<256x8xi1> to vector<256x1xi1>
    %slice3A_226 = vector.extract_strided_slice %add3A_88 {offsets = [0, 320], sizes = [256, 64], strides = [1, 1]} : vector<256x384xf32> to vector<256x64xf32>
    %broadcast_in_dim3A_227 = vector.shape_cast %slice3A_225 : vector<256x1xi1> to vector<256x1xi1>
    %broadcast_in_dim3A_228 = vector.broadcast %broadcast_in_dim3A_227 : vector<256x1xi1> to vector<256x64xi1>
    %select_n3A_229 = arith.select %broadcast_in_dim3A_228, %slice3A_226, %select_n3A_224 : vector<256x64xi1>, vector<256x64xf32>
    %slice3A_230 = vector.extract_strided_slice %add3A_88 {offsets = [0, 0], sizes = [256, 64], strides = [1, 1]} : vector<256x384xf32> to vector<256x64xf32>
    %slice3A_231 = vector.extract_strided_slice %gt3A {offsets = [0, 4], sizes = [256, 1], strides = [1, 1]} : vector<256x8xi1> to vector<256x1xi1>
    %slice3A_232 = vector.extract_strided_slice %add3A_88 {offsets = [0, 64], sizes = [256, 64], strides = [1, 1]} : vector<256x384xf32> to vector<256x64xf32>
    %broadcast_in_dim3A_233 = vector.shape_cast %slice3A_231 : vector<256x1xi1> to vector<256x1xi1>
    %broadcast_in_dim3A_234 = vector.broadcast %broadcast_in_dim3A_233 : vector<256x1xi1> to vector<256x64xi1>
    %select_n3A_235 = arith.select %broadcast_in_dim3A_234, %slice3A_232, %slice3A_230 : vector<256x64xi1>, vector<256x64xf32>
    %slice3A_236 = vector.extract_strided_slice %gt3A_119 {offsets = [0, 4], sizes = [256, 1], strides = [1, 1]} : vector<256x8xi1> to vector<256x1xi1>
    %slice3A_237 = vector.extract_strided_slice %add3A_88 {offsets = [0, 128], sizes = [256, 64], strides = [1, 1]} : vector<256x384xf32> to vector<256x64xf32>
    %broadcast_in_dim3A_238 = vector.shape_cast %slice3A_236 : vector<256x1xi1> to vector<256x1xi1>
    %broadcast_in_dim3A_239 = vector.broadcast %broadcast_in_dim3A_238 : vector<256x1xi1> to vector<256x64xi1>
    %select_n3A_240 = arith.select %broadcast_in_dim3A_239, %slice3A_237, %select_n3A_235 : vector<256x64xi1>, vector<256x64xf32>
    %slice3A_241 = vector.extract_strided_slice %gt3A_121 {offsets = [0, 4], sizes = [256, 1], strides = [1, 1]} : vector<256x8xi1> to vector<256x1xi1>
    %slice3A_242 = vector.extract_strided_slice %add3A_88 {offsets = [0, 192], sizes = [256, 64], strides = [1, 1]} : vector<256x384xf32> to vector<256x64xf32>
    %broadcast_in_dim3A_243 = vector.shape_cast %slice3A_241 : vector<256x1xi1> to vector<256x1xi1>
    %broadcast_in_dim3A_244 = vector.broadcast %broadcast_in_dim3A_243 : vector<256x1xi1> to vector<256x64xi1>
    %select_n3A_245 = arith.select %broadcast_in_dim3A_244, %slice3A_242, %select_n3A_240 : vector<256x64xi1>, vector<256x64xf32>
    %slice3A_246 = vector.extract_strided_slice %gt3A_123 {offsets = [0, 4], sizes = [256, 1], strides = [1, 1]} : vector<256x8xi1> to vector<256x1xi1>
    %slice3A_247 = vector.extract_strided_slice %add3A_88 {offsets = [0, 256], sizes = [256, 64], strides = [1, 1]} : vector<256x384xf32> to vector<256x64xf32>
    %broadcast_in_dim3A_248 = vector.shape_cast %slice3A_246 : vector<256x1xi1> to vector<256x1xi1>
    %broadcast_in_dim3A_249 = vector.broadcast %broadcast_in_dim3A_248 : vector<256x1xi1> to vector<256x64xi1>
    %select_n3A_250 = arith.select %broadcast_in_dim3A_249, %slice3A_247, %select_n3A_245 : vector<256x64xi1>, vector<256x64xf32>
    %slice3A_251 = vector.extract_strided_slice %gt3A_125 {offsets = [0, 4], sizes = [256, 1], strides = [1, 1]} : vector<256x8xi1> to vector<256x1xi1>
    %slice3A_252 = vector.extract_strided_slice %add3A_88 {offsets = [0, 320], sizes = [256, 64], strides = [1, 1]} : vector<256x384xf32> to vector<256x64xf32>
    %broadcast_in_dim3A_253 = vector.shape_cast %slice3A_251 : vector<256x1xi1> to vector<256x1xi1>
    %broadcast_in_dim3A_254 = vector.broadcast %broadcast_in_dim3A_253 : vector<256x1xi1> to vector<256x64xi1>
    %select_n3A_255 = arith.select %broadcast_in_dim3A_254, %slice3A_252, %select_n3A_250 : vector<256x64xi1>, vector<256x64xf32>
    %slice3A_256 = vector.extract_strided_slice %add3A_88 {offsets = [0, 0], sizes = [256, 64], strides = [1, 1]} : vector<256x384xf32> to vector<256x64xf32>
    %slice3A_257 = vector.extract_strided_slice %gt3A {offsets = [0, 5], sizes = [256, 1], strides = [1, 1]} : vector<256x8xi1> to vector<256x1xi1>
    %slice3A_258 = vector.extract_strided_slice %add3A_88 {offsets = [0, 64], sizes = [256, 64], strides = [1, 1]} : vector<256x384xf32> to vector<256x64xf32>
    %broadcast_in_dim3A_259 = vector.shape_cast %slice3A_257 : vector<256x1xi1> to vector<256x1xi1>
    %broadcast_in_dim3A_260 = vector.broadcast %broadcast_in_dim3A_259 : vector<256x1xi1> to vector<256x64xi1>
    %select_n3A_261 = arith.select %broadcast_in_dim3A_260, %slice3A_258, %slice3A_256 : vector<256x64xi1>, vector<256x64xf32>
    %slice3A_262 = vector.extract_strided_slice %gt3A_119 {offsets = [0, 5], sizes = [256, 1], strides = [1, 1]} : vector<256x8xi1> to vector<256x1xi1>
    %slice3A_263 = vector.extract_strided_slice %add3A_88 {offsets = [0, 128], sizes = [256, 64], strides = [1, 1]} : vector<256x384xf32> to vector<256x64xf32>
    %broadcast_in_dim3A_264 = vector.shape_cast %slice3A_262 : vector<256x1xi1> to vector<256x1xi1>
    %broadcast_in_dim3A_265 = vector.broadcast %broadcast_in_dim3A_264 : vector<256x1xi1> to vector<256x64xi1>
    %select_n3A_266 = arith.select %broadcast_in_dim3A_265, %slice3A_263, %select_n3A_261 : vector<256x64xi1>, vector<256x64xf32>
    %slice3A_267 = vector.extract_strided_slice %gt3A_121 {offsets = [0, 5], sizes = [256, 1], strides = [1, 1]} : vector<256x8xi1> to vector<256x1xi1>
    %slice3A_268 = vector.extract_strided_slice %add3A_88 {offsets = [0, 192], sizes = [256, 64], strides = [1, 1]} : vector<256x384xf32> to vector<256x64xf32>
    %broadcast_in_dim3A_269 = vector.shape_cast %slice3A_267 : vector<256x1xi1> to vector<256x1xi1>
    %broadcast_in_dim3A_270 = vector.broadcast %broadcast_in_dim3A_269 : vector<256x1xi1> to vector<256x64xi1>
    %select_n3A_271 = arith.select %broadcast_in_dim3A_270, %slice3A_268, %select_n3A_266 : vector<256x64xi1>, vector<256x64xf32>
    %slice3A_272 = vector.extract_strided_slice %gt3A_123 {offsets = [0, 5], sizes = [256, 1], strides = [1, 1]} : vector<256x8xi1> to vector<256x1xi1>
    %slice3A_273 = vector.extract_strided_slice %add3A_88 {offsets = [0, 256], sizes = [256, 64], strides = [1, 1]} : vector<256x384xf32> to vector<256x64xf32>
    %broadcast_in_dim3A_274 = vector.shape_cast %slice3A_272 : vector<256x1xi1> to vector<256x1xi1>
    %broadcast_in_dim3A_275 = vector.broadcast %broadcast_in_dim3A_274 : vector<256x1xi1> to vector<256x64xi1>
    %select_n3A_276 = arith.select %broadcast_in_dim3A_275, %slice3A_273, %select_n3A_271 : vector<256x64xi1>, vector<256x64xf32>
    %slice3A_277 = vector.extract_strided_slice %gt3A_125 {offsets = [0, 5], sizes = [256, 1], strides = [1, 1]} : vector<256x8xi1> to vector<256x1xi1>
    %slice3A_278 = vector.extract_strided_slice %add3A_88 {offsets = [0, 320], sizes = [256, 64], strides = [1, 1]} : vector<256x384xf32> to vector<256x64xf32>
    %broadcast_in_dim3A_279 = vector.shape_cast %slice3A_277 : vector<256x1xi1> to vector<256x1xi1>
    %broadcast_in_dim3A_280 = vector.broadcast %broadcast_in_dim3A_279 : vector<256x1xi1> to vector<256x64xi1>
    %select_n3A_281 = arith.select %broadcast_in_dim3A_280, %slice3A_278, %select_n3A_276 : vector<256x64xi1>, vector<256x64xf32>
    %concatenate3A_282 = tpu.concatenate %select_n3A_151, %select_n3A_177, %select_n3A_203, %select_n3A_229, %select_n3A_255, %select_n3A_281 in 1 : vector<256x64xf32>, vector<256x64xf32>, vector<256x64xf32>, vector<256x64xf32>, vector<256x64xf32>, vector<256x64xf32> -> vector<256x384xf32>
    %swap3A = arith.constant 0 : index
    %swap3A_283 = arith.constant 0 : index
    %swap3A_284 = vector.load %arg13[%swap3A, %swap3A_283] : memref<256x384xf32, #tpu.memory_space<vmem>>, vector<256x384xf32>
    tpu.vector_store %arg13[%swap3A, %swap3A_283], %concatenate3A_282 {strides = array<i32>} : memref<256x384xf32, #tpu.memory_space<vmem>>, vector<256x384xf32>,
    %mul3A_285 = arith.mulf %concatenate3A_282, %concatenate3A_282 : vector<256x384xf32>
    %dot_general3A_286 = arith.constant dense<0.000000e+00> : vector<256x8xf32>
    %dot_general3A_287 = tpu.matmul %mul3A_285, %broadcast_in_dim3A_24, %dot_general3A_286 {dimension_numbers = #tpu.dot_dimension_numbers<[1], [0], [0], [1], [0, 0, 1, 1], [], []>, transpose_lhs_hint = false} : vector<256x384xf32>, vector<384x8xf32>, vector<256x8xf32> -> vector<256x8xf32>
    %slice3A_288 = vector.extract_strided_slice %dot_general3A_287 {offsets = [0, 0], sizes = [256, 1], strides = [1, 1]} : vector<256x8xf32> to vector<256x1xf32>
    %squeeze3A = vector.shape_cast %slice3A_288 : vector<256x1xf32> to vector<256xf32>
    %broadcast_in_dim3A_289 = vector.shape_cast %squeeze3A : vector<256xf32> to vector<1x1x256xf32>
    %swap3A_290 = arith.constant 0 : index
    %swap3A_291 = arith.constant 0 : index
    %swap3A_292 = arith.constant 0 : index
    %swap3A_293 = vector.load %arg14[%swap3A_290, %swap3A_291, %swap3A_292] : memref<1x1x256xf32, #tpu.memory_space<vmem>>, vector<1x1x256xf32>
    tpu.vector_store %arg14[%swap3A_290, %swap3A_291, %swap3A_292], %broadcast_in_dim3A_289 {strides = array<i32>} : memref<1x1x256xf32, #tpu.memory_space<vmem>>, vector<1x1x256xf32>,
    return
  }
  func.func @transform_0(%arg0: i32) -> (i32, i32) {
    %c0_i32 = arith.constant 0 : i32
    %c0_i32_0 = arith.constant 0 : i32
    return %arg0, %c0_i32 : i32, i32
  }
  func.func @transform_1(%arg0: i32) -> (i32, i32) {
    %c0_i32 = arith.constant 0 : i32
    %c0_i32_0 = arith.constant 0 : i32
    %c0_i32_1 = arith.constant 0 : i32
    return %c0_i32, %c0_i32_0 : i32, i32
  }
  func.func @transform_2(%arg0: i32) -> (i32, i32) {
    %c0_i32 = arith.constant 0 : i32
    %c0_i32_0 = arith.constant 0 : i32
    %c0_i32_1 = arith.constant 0 : i32
    return %c0_i32, %c0_i32_0 : i32, i32
  }
  func.func @transform_3(%arg0: i32) -> (i32, i32) {
    %c0_i32 = arith.constant 0 : i32
    %c0_i32_0 = arith.constant 0 : i32
    %c0_i32_1 = arith.constant 0 : i32
    return %c0_i32, %c0_i32_0 : i32, i32
  }
  func.func @transform_4(%arg0: i32) -> (i32, i32) {
    %c0_i32 = arith.constant 0 : i32
    %c0_i32_0 = arith.constant 0 : i32
    %c0_i32_1 = arith.constant 0 : i32
    return %c0_i32, %c0_i32_0 : i32, i32
  }
  func.func @transform_5(%arg0: i32) -> (i32, i32) {
    %c0_i32 = arith.constant 0 : i32
    %c0_i32_0 = arith.constant 0 : i32
    %c0_i32_1 = arith.constant 0 : i32
    return %c0_i32, %c0_i32_0 : i32, i32
  }
  func.func @transform_6(%arg0: i32) -> (i32, i32) {
    %c0_i32 = arith.constant 0 : i32
    %c0_i32_0 = arith.constant 0 : i32
    %c0_i32_1 = arith.constant 0 : i32
    return %c0_i32, %c0_i32_0 : i32, i32
  }
  func.func @transform_7(%arg0: i32) -> (i32, i32) {
    %c0_i32 = arith.constant 0 : i32
    %c0_i32_0 = arith.constant 0 : i32
    %c0_i32_1 = arith.constant 0 : i32
    return %c0_i32, %c0_i32_0 : i32, i32
  }
  func.func @transform_8(%arg0: i32) -> (i32, i32) {
    %c0_i32 = arith.constant 0 : i32
    %c0_i32_0 = arith.constant 0 : i32
    %c0_i32_1 = arith.constant 0 : i32
    return %c0_i32, %c0_i32_0 : i32, i32
  }
  func.func @transform_9(%arg0: i32) -> (i32, i32) {
    %c0_i32 = arith.constant 0 : i32
    %c0_i32_0 = arith.constant 0 : i32
    %c0_i32_1 = arith.constant 0 : i32
    return %c0_i32, %c0_i32_0 : i32, i32
  }
  func.func @transform_10(%arg0: i32) -> (i32, i32) {
    %c0_i32 = arith.constant 0 : i32
    %c0_i32_0 = arith.constant 0 : i32
    %c0_i32_1 = arith.constant 0 : i32
    return %c0_i32, %c0_i32_0 : i32, i32
  }
  func.func @transform_11(%arg0: i32) -> (i32, i32) {
    %c0_i32 = arith.constant 0 : i32
    %c0_i32_0 = arith.constant 0 : i32
    %c0_i32_1 = arith.constant 0 : i32
    return %c0_i32, %c0_i32_0 : i32, i32
  }
  func.func @transform_12(%arg0: i32) -> (i32, i32) {
    %c0_i32 = arith.constant 0 : i32
    %c0_i32_0 = arith.constant 0 : i32
    return %arg0, %c0_i32 : i32, i32
  }
  func.func @transform_13(%arg0: i32) -> (i32, i32, i32) {
    %c0_i32 = arith.constant 0 : i32
    %c0_i32_0 = arith.constant 0 : i32
    %c0_i32_1 = arith.constant 0 : i32
    return %arg0, %c0_i32, %c0_i32_0 : i32, i32, i32
  }
}

module attributes {stable_mosaic.version = 14 : i64} {
  func.func @_scan_body(%arg0: i32, %arg1: memref<896x768xf32, #tpu.memory_space<vmem>>, %arg2: memref<1792x1024xf32, #tpu.memory_space<vmem>>, %arg3: memref<4x768xf32, #tpu.memory_space<vmem>>, %arg4: memref<16x768xf32, #tpu.memory_space<vmem>>, %arg5: memref<16x768xf32, #tpu.memory_space<vmem>>, %arg6: memref<16x16xbf16, #tpu.memory_space<vmem>>, %arg7: memref<384x1024xbf16, #tpu.memory_space<vmem>>, %arg8: memref<1x1024xf32, #tpu.memory_space<vmem>>, %arg9: memref<1792x1024xf32, #tpu.memory_space<vmem>>, %arg10: memref<896x768xf32, #tpu.memory_space<vmem>>, %arg11: memref<896x768xf32, #tpu.memory_space<vmem>>) attributes {dimension_semantics = [#tpu.dimension_semantics<arbitrary>], iteration_bounds = array<i64: 1>, scalar_prefetch = 0 : i64, scratch_operands = 2 : i64, tpu.core_type = #tpu.core_type<tc>, window_params = [{pipeline_mode = #tpu.pipeline_mode<synchronous>, transform_indices = @transform_0, window_bounds = array<i64: 896, 768>}, {pipeline_mode = #tpu.pipeline_mode<synchronous>, transform_indices = @transform_1, window_bounds = array<i64: 1792, 1024>}, {pipeline_mode = #tpu.pipeline_mode<synchronous>, transform_indices = @transform_2, window_bounds = array<i64: 4, 768>}, {pipeline_mode = #tpu.pipeline_mode<synchronous>, transform_indices = @transform_3, window_bounds = array<i64: 16, 768>}, {pipeline_mode = #tpu.pipeline_mode<synchronous>, transform_indices = @transform_4, window_bounds = array<i64: 16, 768>}, {pipeline_mode = #tpu.pipeline_mode<synchronous>, transform_indices = @transform_5, window_bounds = array<i64: 16, 16>}, {pipeline_mode = #tpu.pipeline_mode<synchronous>, transform_indices = @transform_6, window_bounds = array<i64: 384, 1024>}, {pipeline_mode = #tpu.pipeline_mode<synchronous>, transform_indices = @transform_7, window_bounds = array<i64: 1, 1024>}, {pipeline_mode = #tpu.pipeline_mode<synchronous>, transform_indices = @transform_8, window_bounds = array<i64: 1792, 1024>}]} {
    %get3A = arith.constant 0 : index
    %get3A_0 = arith.constant 0 : index
    %get3A_1 = vector.load %arg1[%get3A, %get3A_0] : memref<896x768xf32, #tpu.memory_space<vmem>>, vector<896x768xf32>
    %get3A_2 = arith.constant 0 : index
    %get3A_3 = arith.constant 0 : index
    %get3A_4 = vector.load %arg3[%get3A_2, %get3A_3] : memref<4x768xf32, #tpu.memory_space<vmem>>, vector<4x768xf32>
    %broadcast_in_dim3A = arith.constant 0.000000e+00 : f32
    %broadcast_in_dim3A_5 = vector.broadcast %broadcast_in_dim3A : f32 to vector<1x768xf32>
    %broadcast_in_dim3A_6 = arith.constant 0.000000e+00 : f32
    %broadcast_in_dim3A_7 = vector.broadcast %broadcast_in_dim3A_6 : f32 to vector<2x768xf32>
    %broadcast_in_dim3A_8 = arith.constant 0.000000e+00 : f32
    %broadcast_in_dim3A_9 = vector.broadcast %broadcast_in_dim3A_8 : f32 to vector<3x768xf32>
    %slice3A = vector.extract_strided_slice %get3A_4 {offsets = [3, 0], sizes = [1, 768], strides = [1, 1]} : vector<4x768xf32> to vector<1x768xf32>
    %mul3A = vector.broadcast %slice3A : vector<1x768xf32> to vector<896x768xf32>
    %mul3A_10 = arith.mulf %get3A_1, %mul3A : vector<896x768xf32>
    %slice3A_11 = vector.extract_strided_slice %get3A_1 {offsets = [0, 0], sizes = [895, 768], strides = [1, 1]} : vector<896x768xf32> to vector<895x768xf32>
    %concatenate3A = tpu.concatenate %broadcast_in_dim3A_5, %slice3A_11 in 0 : vector<1x768xf32>, vector<895x768xf32> -> vector<896x768xf32>
    %slice3A_12 = vector.extract_strided_slice %get3A_4 {offsets = [2, 0], sizes = [1, 768], strides = [1, 1]} : vector<4x768xf32> to vector<1x768xf32>
    %mul3A_13 = vector.broadcast %slice3A_12 : vector<1x768xf32> to vector<896x768xf32>
    %mul3A_14 = arith.mulf %concatenate3A, %mul3A_13 : vector<896x768xf32>
    %add3A = arith.addf %mul3A_10, %mul3A_14 : vector<896x768xf32>
    %slice3A_15 = vector.extract_strided_slice %get3A_1 {offsets = [0, 0], sizes = [894, 768], strides = [1, 1]} : vector<896x768xf32> to vector<894x768xf32>
    %concatenate3A_16 = tpu.concatenate %broadcast_in_dim3A_7, %slice3A_15 in 0 : vector<2x768xf32>, vector<894x768xf32> -> vector<896x768xf32>
    %slice3A_17 = vector.extract_strided_slice %get3A_4 {offsets = [1, 0], sizes = [1, 768], strides = [1, 1]} : vector<4x768xf32> to vector<1x768xf32>
    %mul3A_18 = vector.broadcast %slice3A_17 : vector<1x768xf32> to vector<896x768xf32>
    %mul3A_19 = arith.mulf %concatenate3A_16, %mul3A_18 : vector<896x768xf32>
    %add3A_20 = arith.addf %add3A, %mul3A_19 : vector<896x768xf32>
    %slice3A_21 = vector.extract_strided_slice %get3A_1 {offsets = [0, 0], sizes = [893, 768], strides = [1, 1]} : vector<896x768xf32> to vector<893x768xf32>
    %concatenate3A_22 = tpu.concatenate %broadcast_in_dim3A_9, %slice3A_21 in 0 : vector<3x768xf32>, vector<893x768xf32> -> vector<896x768xf32>
    %slice3A_23 = vector.extract_strided_slice %get3A_4 {offsets = [0, 0], sizes = [1, 768], strides = [1, 1]} : vector<4x768xf32> to vector<1x768xf32>
    %mul3A_24 = vector.broadcast %slice3A_23 : vector<1x768xf32> to vector<896x768xf32>
    %mul3A_25 = arith.mulf %concatenate3A_22, %mul3A_24 : vector<896x768xf32>
    %add3A_26 = arith.addf %add3A_20, %mul3A_25 : vector<896x768xf32>
    %swap3A = arith.constant 0 : index
    %swap3A_27 = arith.constant 0 : index
    %swap3A_28 = vector.load %arg10[%swap3A, %swap3A_27] : memref<896x768xf32, #tpu.memory_space<vmem>>, vector<896x768xf32>
    tpu.vector_store %arg10[%swap3A, %swap3A_27], %add3A_26 {strides = array<i32>} : memref<896x768xf32, #tpu.memory_space<vmem>>, vector<896x768xf32>,
    %get3A_29 = arith.constant 0 : index
    %get3A_30 = arith.constant 0 : index
    %get3A_31 = vector.load %arg6[%get3A_29, %get3A_30] : memref<16x16xbf16, #tpu.memory_space<vmem>>, vector<16x16xbf16>
    %get3A_32 = arith.constant 0 : index
    %get3A_33 = arith.constant 0 : index
    %get3A_34 = vector.load %arg4[%get3A_32, %get3A_33] : memref<16x768xf32, #tpu.memory_space<vmem>>, vector<16x768xf32>
    %get3A_35 = arith.constant 0 : index
    %get3A_36 = arith.constant 0 : index
    %get3A_37 = vector.load %arg5[%get3A_35, %get3A_36] : memref<16x768xf32, #tpu.memory_space<vmem>>, vector<16x768xf32>
    %broadcast_in_dim3A_38 = arith.constant 1.000000e+00 : f32
    %broadcast_in_dim3A_39 = vector.broadcast %broadcast_in_dim3A_38 : f32 to vector<1x16xf32>
    %broadcast_in_dim3A_40 = arith.constant 0.000000e+00 : f32
    %broadcast_in_dim3A_41 = vector.broadcast %broadcast_in_dim3A_40 : f32 to vector<16x768xf32>
    %scan3A = arith.constant 0 : i32
    %scan3A_42 = arith.constant 816 : i32
    %scan3A_43 = arith.addi %scan3A, %scan3A_42 : i32
    %scan3A_44 = arith.constant 8 : i32
    %scan3A_45 = scf.for %scan3A_131 = %scan3A to %scan3A_43 step %scan3A_44 iter_args(%scan3A_132 = %broadcast_in_dim3A_41) -> (vector<16x768xf32>)  : i32 {
      %get3A_133 = arith.index_cast %scan3A_131 : i32 to index
      %get3A_134 = arith.constant 0 : index
      %get3A_135 = vector.load %arg10[%get3A_133, %get3A_134] : memref<896x768xf32, #tpu.memory_space<vmem>>, vector<1x768xf32>
      %convert_element_type3A_136 = arith.truncf %scan3A_132 : vector<16x768xf32> to vector<16x768xbf16>
      %dot_general3A_137 = arith.constant dense<0.000000e+00> : vector<16x768xf32>
      %dot_general3A_138 = tpu.matmul %get3A_31, %convert_element_type3A_136, %dot_general3A_137 {dimension_numbers = #tpu.dot_dimension_numbers<[1], [0], [0], [1], [0, 0, 1, 1], [], []>, transpose_lhs_hint = false} : vector<16x16xbf16>, vector<16x768xbf16>, vector<16x768xf32> -> vector<16x768xf32>
      %mul3A_139 = vector.broadcast %get3A_135 : vector<1x768xf32> to vector<16x768xf32>
      %mul3A_140 = arith.mulf %get3A_34, %mul3A_139 : vector<16x768xf32>
      %add3A_141 = arith.addf %dot_general3A_138, %mul3A_140 : vector<16x768xf32>
      %mul3A_142 = arith.mulf %add3A_141, %get3A_37 : vector<16x768xf32>
      %dot_general3A_143 = arith.constant dense<0.000000e+00> : vector<1x768xf32>
      %dot_general3A_144 = tpu.matmul %broadcast_in_dim3A_39, %mul3A_142, %dot_general3A_143 {dimension_numbers = #tpu.dot_dimension_numbers<[1], [0], [0], [1], [0, 0, 1, 1], [], []>, transpose_lhs_hint = false} : vector<1x16xf32>, vector<16x768xf32>, vector<1x768xf32> -> vector<1x768xf32>
      %swap3A_145 = arith.index_cast %scan3A_131 : i32 to index
      %swap3A_146 = arith.constant 0 : index
      %swap3A_147 = vector.load %arg11[%swap3A_145, %swap3A_146] : memref<896x768xf32, #tpu.memory_space<vmem>>, vector<1x768xf32>
      tpu.vector_store %arg11[%swap3A_145, %swap3A_146], %dot_general3A_144 {strides = array<i32>} : memref<896x768xf32, #tpu.memory_space<vmem>>, vector<1x768xf32>,
      %scan3A_148 = arith.constant 1 : i32
      %scan3A_149 = arith.addi %scan3A_131, %scan3A_148 : i32
      %get3A_150 = arith.index_cast %scan3A_149 : i32 to index
      %get3A_151 = arith.constant 0 : index
      %get3A_152 = vector.load %arg10[%get3A_150, %get3A_151] : memref<896x768xf32, #tpu.memory_space<vmem>>, vector<1x768xf32>
      %convert_element_type3A_153 = arith.truncf %add3A_141 : vector<16x768xf32> to vector<16x768xbf16>
      %dot_general3A_154 = arith.constant dense<0.000000e+00> : vector<16x768xf32>
      %dot_general3A_155 = tpu.matmul %get3A_31, %convert_element_type3A_153, %dot_general3A_154 {dimension_numbers = #tpu.dot_dimension_numbers<[1], [0], [0], [1], [0, 0, 1, 1], [], []>, transpose_lhs_hint = false} : vector<16x16xbf16>, vector<16x768xbf16>, vector<16x768xf32> -> vector<16x768xf32>
      %mul3A_156 = vector.broadcast %get3A_152 : vector<1x768xf32> to vector<16x768xf32>
      %mul3A_157 = arith.mulf %get3A_34, %mul3A_156 : vector<16x768xf32>
      %add3A_158 = arith.addf %dot_general3A_155, %mul3A_157 : vector<16x768xf32>
      %mul3A_159 = arith.mulf %add3A_158, %get3A_37 : vector<16x768xf32>
      %dot_general3A_160 = arith.constant dense<0.000000e+00> : vector<1x768xf32>
      %dot_general3A_161 = tpu.matmul %broadcast_in_dim3A_39, %mul3A_159, %dot_general3A_160 {dimension_numbers = #tpu.dot_dimension_numbers<[1], [0], [0], [1], [0, 0, 1, 1], [], []>, transpose_lhs_hint = false} : vector<1x16xf32>, vector<16x768xf32>, vector<1x768xf32> -> vector<1x768xf32>
      %swap3A_162 = arith.index_cast %scan3A_149 : i32 to index
      %swap3A_163 = arith.constant 0 : index
      %swap3A_164 = vector.load %arg11[%swap3A_162, %swap3A_163] : memref<896x768xf32, #tpu.memory_space<vmem>>, vector<1x768xf32>
      tpu.vector_store %arg11[%swap3A_162, %swap3A_163], %dot_general3A_161 {strides = array<i32>} : memref<896x768xf32, #tpu.memory_space<vmem>>, vector<1x768xf32>,
      %scan3A_165 = arith.constant 2 : i32
      %scan3A_166 = arith.addi %scan3A_131, %scan3A_165 : i32
      %get3A_167 = arith.index_cast %scan3A_166 : i32 to index
      %get3A_168 = arith.constant 0 : index
      %get3A_169 = vector.load %arg10[%get3A_167, %get3A_168] : memref<896x768xf32, #tpu.memory_space<vmem>>, vector<1x768xf32>
      %convert_element_type3A_170 = arith.truncf %add3A_158 : vector<16x768xf32> to vector<16x768xbf16>
      %dot_general3A_171 = arith.constant dense<0.000000e+00> : vector<16x768xf32>
      %dot_general3A_172 = tpu.matmul %get3A_31, %convert_element_type3A_170, %dot_general3A_171 {dimension_numbers = #tpu.dot_dimension_numbers<[1], [0], [0], [1], [0, 0, 1, 1], [], []>, transpose_lhs_hint = false} : vector<16x16xbf16>, vector<16x768xbf16>, vector<16x768xf32> -> vector<16x768xf32>
      %mul3A_173 = vector.broadcast %get3A_169 : vector<1x768xf32> to vector<16x768xf32>
      %mul3A_174 = arith.mulf %get3A_34, %mul3A_173 : vector<16x768xf32>
      %add3A_175 = arith.addf %dot_general3A_172, %mul3A_174 : vector<16x768xf32>
      %mul3A_176 = arith.mulf %add3A_175, %get3A_37 : vector<16x768xf32>
      %dot_general3A_177 = arith.constant dense<0.000000e+00> : vector<1x768xf32>
      %dot_general3A_178 = tpu.matmul %broadcast_in_dim3A_39, %mul3A_176, %dot_general3A_177 {dimension_numbers = #tpu.dot_dimension_numbers<[1], [0], [0], [1], [0, 0, 1, 1], [], []>, transpose_lhs_hint = false} : vector<1x16xf32>, vector<16x768xf32>, vector<1x768xf32> -> vector<1x768xf32>
      %swap3A_179 = arith.index_cast %scan3A_166 : i32 to index
      %swap3A_180 = arith.constant 0 : index
      %swap3A_181 = vector.load %arg11[%swap3A_179, %swap3A_180] : memref<896x768xf32, #tpu.memory_space<vmem>>, vector<1x768xf32>
      tpu.vector_store %arg11[%swap3A_179, %swap3A_180], %dot_general3A_178 {strides = array<i32>} : memref<896x768xf32, #tpu.memory_space<vmem>>, vector<1x768xf32>,
      %scan3A_182 = arith.constant 3 : i32
      %scan3A_183 = arith.addi %scan3A_131, %scan3A_182 : i32
      %get3A_184 = arith.index_cast %scan3A_183 : i32 to index
      %get3A_185 = arith.constant 0 : index
      %get3A_186 = vector.load %arg10[%get3A_184, %get3A_185] : memref<896x768xf32, #tpu.memory_space<vmem>>, vector<1x768xf32>
      %convert_element_type3A_187 = arith.truncf %add3A_175 : vector<16x768xf32> to vector<16x768xbf16>
      %dot_general3A_188 = arith.constant dense<0.000000e+00> : vector<16x768xf32>
      %dot_general3A_189 = tpu.matmul %get3A_31, %convert_element_type3A_187, %dot_general3A_188 {dimension_numbers = #tpu.dot_dimension_numbers<[1], [0], [0], [1], [0, 0, 1, 1], [], []>, transpose_lhs_hint = false} : vector<16x16xbf16>, vector<16x768xbf16>, vector<16x768xf32> -> vector<16x768xf32>
      %mul3A_190 = vector.broadcast %get3A_186 : vector<1x768xf32> to vector<16x768xf32>
      %mul3A_191 = arith.mulf %get3A_34, %mul3A_190 : vector<16x768xf32>
      %add3A_192 = arith.addf %dot_general3A_189, %mul3A_191 : vector<16x768xf32>
      %mul3A_193 = arith.mulf %add3A_192, %get3A_37 : vector<16x768xf32>
      %dot_general3A_194 = arith.constant dense<0.000000e+00> : vector<1x768xf32>
      %dot_general3A_195 = tpu.matmul %broadcast_in_dim3A_39, %mul3A_193, %dot_general3A_194 {dimension_numbers = #tpu.dot_dimension_numbers<[1], [0], [0], [1], [0, 0, 1, 1], [], []>, transpose_lhs_hint = false} : vector<1x16xf32>, vector<16x768xf32>, vector<1x768xf32> -> vector<1x768xf32>
      %swap3A_196 = arith.index_cast %scan3A_183 : i32 to index
      %swap3A_197 = arith.constant 0 : index
      %swap3A_198 = vector.load %arg11[%swap3A_196, %swap3A_197] : memref<896x768xf32, #tpu.memory_space<vmem>>, vector<1x768xf32>
      tpu.vector_store %arg11[%swap3A_196, %swap3A_197], %dot_general3A_195 {strides = array<i32>} : memref<896x768xf32, #tpu.memory_space<vmem>>, vector<1x768xf32>,
      %scan3A_199 = arith.constant 4 : i32
      %scan3A_200 = arith.addi %scan3A_131, %scan3A_199 : i32
      %get3A_201 = arith.index_cast %scan3A_200 : i32 to index
      %get3A_202 = arith.constant 0 : index
      %get3A_203 = vector.load %arg10[%get3A_201, %get3A_202] : memref<896x768xf32, #tpu.memory_space<vmem>>, vector<1x768xf32>
      %convert_element_type3A_204 = arith.truncf %add3A_192 : vector<16x768xf32> to vector<16x768xbf16>
      %dot_general3A_205 = arith.constant dense<0.000000e+00> : vector<16x768xf32>
      %dot_general3A_206 = tpu.matmul %get3A_31, %convert_element_type3A_204, %dot_general3A_205 {dimension_numbers = #tpu.dot_dimension_numbers<[1], [0], [0], [1], [0, 0, 1, 1], [], []>, transpose_lhs_hint = false} : vector<16x16xbf16>, vector<16x768xbf16>, vector<16x768xf32> -> vector<16x768xf32>
      %mul3A_207 = vector.broadcast %get3A_203 : vector<1x768xf32> to vector<16x768xf32>
      %mul3A_208 = arith.mulf %get3A_34, %mul3A_207 : vector<16x768xf32>
      %add3A_209 = arith.addf %dot_general3A_206, %mul3A_208 : vector<16x768xf32>
      %mul3A_210 = arith.mulf %add3A_209, %get3A_37 : vector<16x768xf32>
      %dot_general3A_211 = arith.constant dense<0.000000e+00> : vector<1x768xf32>
      %dot_general3A_212 = tpu.matmul %broadcast_in_dim3A_39, %mul3A_210, %dot_general3A_211 {dimension_numbers = #tpu.dot_dimension_numbers<[1], [0], [0], [1], [0, 0, 1, 1], [], []>, transpose_lhs_hint = false} : vector<1x16xf32>, vector<16x768xf32>, vector<1x768xf32> -> vector<1x768xf32>
      %swap3A_213 = arith.index_cast %scan3A_200 : i32 to index
      %swap3A_214 = arith.constant 0 : index
      %swap3A_215 = vector.load %arg11[%swap3A_213, %swap3A_214] : memref<896x768xf32, #tpu.memory_space<vmem>>, vector<1x768xf32>
      tpu.vector_store %arg11[%swap3A_213, %swap3A_214], %dot_general3A_212 {strides = array<i32>} : memref<896x768xf32, #tpu.memory_space<vmem>>, vector<1x768xf32>,
      %scan3A_216 = arith.constant 5 : i32
      %scan3A_217 = arith.addi %scan3A_131, %scan3A_216 : i32
      %get3A_218 = arith.index_cast %scan3A_217 : i32 to index
      %get3A_219 = arith.constant 0 : index
      %get3A_220 = vector.load %arg10[%get3A_218, %get3A_219] : memref<896x768xf32, #tpu.memory_space<vmem>>, vector<1x768xf32>
      %convert_element_type3A_221 = arith.truncf %add3A_209 : vector<16x768xf32> to vector<16x768xbf16>
      %dot_general3A_222 = arith.constant dense<0.000000e+00> : vector<16x768xf32>
      %dot_general3A_223 = tpu.matmul %get3A_31, %convert_element_type3A_221, %dot_general3A_222 {dimension_numbers = #tpu.dot_dimension_numbers<[1], [0], [0], [1], [0, 0, 1, 1], [], []>, transpose_lhs_hint = false} : vector<16x16xbf16>, vector<16x768xbf16>, vector<16x768xf32> -> vector<16x768xf32>
      %mul3A_224 = vector.broadcast %get3A_220 : vector<1x768xf32> to vector<16x768xf32>
      %mul3A_225 = arith.mulf %get3A_34, %mul3A_224 : vector<16x768xf32>
      %add3A_226 = arith.addf %dot_general3A_223, %mul3A_225 : vector<16x768xf32>
      %mul3A_227 = arith.mulf %add3A_226, %get3A_37 : vector<16x768xf32>
      %dot_general3A_228 = arith.constant dense<0.000000e+00> : vector<1x768xf32>
      %dot_general3A_229 = tpu.matmul %broadcast_in_dim3A_39, %mul3A_227, %dot_general3A_228 {dimension_numbers = #tpu.dot_dimension_numbers<[1], [0], [0], [1], [0, 0, 1, 1], [], []>, transpose_lhs_hint = false} : vector<1x16xf32>, vector<16x768xf32>, vector<1x768xf32> -> vector<1x768xf32>
      %swap3A_230 = arith.index_cast %scan3A_217 : i32 to index
      %swap3A_231 = arith.constant 0 : index
      %swap3A_232 = vector.load %arg11[%swap3A_230, %swap3A_231] : memref<896x768xf32, #tpu.memory_space<vmem>>, vector<1x768xf32>
      tpu.vector_store %arg11[%swap3A_230, %swap3A_231], %dot_general3A_229 {strides = array<i32>} : memref<896x768xf32, #tpu.memory_space<vmem>>, vector<1x768xf32>,
      %scan3A_233 = arith.constant 6 : i32
      %scan3A_234 = arith.addi %scan3A_131, %scan3A_233 : i32
      %get3A_235 = arith.index_cast %scan3A_234 : i32 to index
      %get3A_236 = arith.constant 0 : index
      %get3A_237 = vector.load %arg10[%get3A_235, %get3A_236] : memref<896x768xf32, #tpu.memory_space<vmem>>, vector<1x768xf32>
      %convert_element_type3A_238 = arith.truncf %add3A_226 : vector<16x768xf32> to vector<16x768xbf16>
      %dot_general3A_239 = arith.constant dense<0.000000e+00> : vector<16x768xf32>
      %dot_general3A_240 = tpu.matmul %get3A_31, %convert_element_type3A_238, %dot_general3A_239 {dimension_numbers = #tpu.dot_dimension_numbers<[1], [0], [0], [1], [0, 0, 1, 1], [], []>, transpose_lhs_hint = false} : vector<16x16xbf16>, vector<16x768xbf16>, vector<16x768xf32> -> vector<16x768xf32>
      %mul3A_241 = vector.broadcast %get3A_237 : vector<1x768xf32> to vector<16x768xf32>
      %mul3A_242 = arith.mulf %get3A_34, %mul3A_241 : vector<16x768xf32>
      %add3A_243 = arith.addf %dot_general3A_240, %mul3A_242 : vector<16x768xf32>
      %mul3A_244 = arith.mulf %add3A_243, %get3A_37 : vector<16x768xf32>
      %dot_general3A_245 = arith.constant dense<0.000000e+00> : vector<1x768xf32>
      %dot_general3A_246 = tpu.matmul %broadcast_in_dim3A_39, %mul3A_244, %dot_general3A_245 {dimension_numbers = #tpu.dot_dimension_numbers<[1], [0], [0], [1], [0, 0, 1, 1], [], []>, transpose_lhs_hint = false} : vector<1x16xf32>, vector<16x768xf32>, vector<1x768xf32> -> vector<1x768xf32>
      %swap3A_247 = arith.index_cast %scan3A_234 : i32 to index
      %swap3A_248 = arith.constant 0 : index
      %swap3A_249 = vector.load %arg11[%swap3A_247, %swap3A_248] : memref<896x768xf32, #tpu.memory_space<vmem>>, vector<1x768xf32>
      tpu.vector_store %arg11[%swap3A_247, %swap3A_248], %dot_general3A_246 {strides = array<i32>} : memref<896x768xf32, #tpu.memory_space<vmem>>, vector<1x768xf32>,
      %scan3A_250 = arith.constant 7 : i32
      %scan3A_251 = arith.addi %scan3A_131, %scan3A_250 : i32
      %get3A_252 = arith.index_cast %scan3A_251 : i32 to index
      %get3A_253 = arith.constant 0 : index
      %get3A_254 = vector.load %arg10[%get3A_252, %get3A_253] : memref<896x768xf32, #tpu.memory_space<vmem>>, vector<1x768xf32>
      %convert_element_type3A_255 = arith.truncf %add3A_243 : vector<16x768xf32> to vector<16x768xbf16>
      %dot_general3A_256 = arith.constant dense<0.000000e+00> : vector<16x768xf32>
      %dot_general3A_257 = tpu.matmul %get3A_31, %convert_element_type3A_255, %dot_general3A_256 {dimension_numbers = #tpu.dot_dimension_numbers<[1], [0], [0], [1], [0, 0, 1, 1], [], []>, transpose_lhs_hint = false} : vector<16x16xbf16>, vector<16x768xbf16>, vector<16x768xf32> -> vector<16x768xf32>
      %mul3A_258 = vector.broadcast %get3A_254 : vector<1x768xf32> to vector<16x768xf32>
      %mul3A_259 = arith.mulf %get3A_34, %mul3A_258 : vector<16x768xf32>
      %add3A_260 = arith.addf %dot_general3A_257, %mul3A_259 : vector<16x768xf32>
      %mul3A_261 = arith.mulf %add3A_260, %get3A_37 : vector<16x768xf32>
      %dot_general3A_262 = arith.constant dense<0.000000e+00> : vector<1x768xf32>
      %dot_general3A_263 = tpu.matmul %broadcast_in_dim3A_39, %mul3A_261, %dot_general3A_262 {dimension_numbers = #tpu.dot_dimension_numbers<[1], [0], [0], [1], [0, 0, 1, 1], [], []>, transpose_lhs_hint = false} : vector<1x16xf32>, vector<16x768xf32>, vector<1x768xf32> -> vector<1x768xf32>
      %swap3A_264 = arith.index_cast %scan3A_251 : i32 to index
      %swap3A_265 = arith.constant 0 : index
      %swap3A_266 = vector.load %arg11[%swap3A_264, %swap3A_265] : memref<896x768xf32, #tpu.memory_space<vmem>>, vector<1x768xf32>
      tpu.vector_store %arg11[%swap3A_264, %swap3A_265], %dot_general3A_263 {strides = array<i32>} : memref<896x768xf32, #tpu.memory_space<vmem>>, vector<1x768xf32>,
      scf.yield %add3A_260 : vector<16x768xf32>
    }
    %scan3A_46 = arith.constant 816 : i32
    %scan3A_47 = arith.addi %scan3A, %scan3A_46 : i32
    %get3A_48 = arith.index_cast %scan3A_47 : i32 to index
    %get3A_49 = arith.constant 0 : index
    %get3A_50 = vector.load %arg10[%get3A_48, %get3A_49] : memref<896x768xf32, #tpu.memory_space<vmem>>, vector<1x768xf32>
    %convert_element_type3A = arith.truncf %scan3A_45 : vector<16x768xf32> to vector<16x768xbf16>
    %dot_general3A = arith.constant dense<0.000000e+00> : vector<16x768xf32>
    %dot_general3A_51 = tpu.matmul %get3A_31, %convert_element_type3A, %dot_general3A {dimension_numbers = #tpu.dot_dimension_numbers<[1], [0], [0], [1], [0, 0, 1, 1], [], []>, transpose_lhs_hint = false} : vector<16x16xbf16>, vector<16x768xbf16>, vector<16x768xf32> -> vector<16x768xf32>
    %mul3A_52 = vector.broadcast %get3A_50 : vector<1x768xf32> to vector<16x768xf32>
    %mul3A_53 = arith.mulf %get3A_34, %mul3A_52 : vector<16x768xf32>
    %add3A_54 = arith.addf %dot_general3A_51, %mul3A_53 : vector<16x768xf32>
    %mul3A_55 = arith.mulf %add3A_54, %get3A_37 : vector<16x768xf32>
    %dot_general3A_56 = arith.constant dense<0.000000e+00> : vector<1x768xf32>
    %dot_general3A_57 = tpu.matmul %broadcast_in_dim3A_39, %mul3A_55, %dot_general3A_56 {dimension_numbers = #tpu.dot_dimension_numbers<[1], [0], [0], [1], [0, 0, 1, 1], [], []>, transpose_lhs_hint = false} : vector<1x16xf32>, vector<16x768xf32>, vector<1x768xf32> -> vector<1x768xf32>
    %swap3A_58 = arith.index_cast %scan3A_47 : i32 to index
    %swap3A_59 = arith.constant 0 : index
    %swap3A_60 = vector.load %arg11[%swap3A_58, %swap3A_59] : memref<896x768xf32, #tpu.memory_space<vmem>>, vector<1x768xf32>
    tpu.vector_store %arg11[%swap3A_58, %swap3A_59], %dot_general3A_57 {strides = array<i32>} : memref<896x768xf32, #tpu.memory_space<vmem>>, vector<1x768xf32>,
    %scan3A_61 = arith.constant 817 : i32
    %scan3A_62 = arith.addi %scan3A, %scan3A_61 : i32
    %get3A_63 = arith.index_cast %scan3A_62 : i32 to index
    %get3A_64 = arith.constant 0 : index
    %get3A_65 = vector.load %arg10[%get3A_63, %get3A_64] : memref<896x768xf32, #tpu.memory_space<vmem>>, vector<1x768xf32>
    %convert_element_type3A_66 = arith.truncf %add3A_54 : vector<16x768xf32> to vector<16x768xbf16>
    %dot_general3A_67 = arith.constant dense<0.000000e+00> : vector<16x768xf32>
    %dot_general3A_68 = tpu.matmul %get3A_31, %convert_element_type3A_66, %dot_general3A_67 {dimension_numbers = #tpu.dot_dimension_numbers<[1], [0], [0], [1], [0, 0, 1, 1], [], []>, transpose_lhs_hint = false} : vector<16x16xbf16>, vector<16x768xbf16>, vector<16x768xf32> -> vector<16x768xf32>
    %mul3A_69 = vector.broadcast %get3A_65 : vector<1x768xf32> to vector<16x768xf32>
    %mul3A_70 = arith.mulf %get3A_34, %mul3A_69 : vector<16x768xf32>
    %add3A_71 = arith.addf %dot_general3A_68, %mul3A_70 : vector<16x768xf32>
    %mul3A_72 = arith.mulf %add3A_71, %get3A_37 : vector<16x768xf32>
    %dot_general3A_73 = arith.constant dense<0.000000e+00> : vector<1x768xf32>
    %dot_general3A_74 = tpu.matmul %broadcast_in_dim3A_39, %mul3A_72, %dot_general3A_73 {dimension_numbers = #tpu.dot_dimension_numbers<[1], [0], [0], [1], [0, 0, 1, 1], [], []>, transpose_lhs_hint = false} : vector<1x16xf32>, vector<16x768xf32>, vector<1x768xf32> -> vector<1x768xf32>
    %swap3A_75 = arith.index_cast %scan3A_62 : i32 to index
    %swap3A_76 = arith.constant 0 : index
    %swap3A_77 = vector.load %arg11[%swap3A_75, %swap3A_76] : memref<896x768xf32, #tpu.memory_space<vmem>>, vector<1x768xf32>
    tpu.vector_store %arg11[%swap3A_75, %swap3A_76], %dot_general3A_74 {strides = array<i32>} : memref<896x768xf32, #tpu.memory_space<vmem>>, vector<1x768xf32>,
    %scan3A_78 = arith.constant 818 : i32
    %scan3A_79 = arith.addi %scan3A, %scan3A_78 : i32
    %get3A_80 = arith.index_cast %scan3A_79 : i32 to index
    %get3A_81 = arith.constant 0 : index
    %get3A_82 = vector.load %arg10[%get3A_80, %get3A_81] : memref<896x768xf32, #tpu.memory_space<vmem>>, vector<1x768xf32>
    %convert_element_type3A_83 = arith.truncf %add3A_71 : vector<16x768xf32> to vector<16x768xbf16>
    %dot_general3A_84 = arith.constant dense<0.000000e+00> : vector<16x768xf32>
    %dot_general3A_85 = tpu.matmul %get3A_31, %convert_element_type3A_83, %dot_general3A_84 {dimension_numbers = #tpu.dot_dimension_numbers<[1], [0], [0], [1], [0, 0, 1, 1], [], []>, transpose_lhs_hint = false} : vector<16x16xbf16>, vector<16x768xbf16>, vector<16x768xf32> -> vector<16x768xf32>
    %mul3A_86 = vector.broadcast %get3A_82 : vector<1x768xf32> to vector<16x768xf32>
    %mul3A_87 = arith.mulf %get3A_34, %mul3A_86 : vector<16x768xf32>
    %add3A_88 = arith.addf %dot_general3A_85, %mul3A_87 : vector<16x768xf32>
    %mul3A_89 = arith.mulf %add3A_88, %get3A_37 : vector<16x768xf32>
    %dot_general3A_90 = arith.constant dense<0.000000e+00> : vector<1x768xf32>
    %dot_general3A_91 = tpu.matmul %broadcast_in_dim3A_39, %mul3A_89, %dot_general3A_90 {dimension_numbers = #tpu.dot_dimension_numbers<[1], [0], [0], [1], [0, 0, 1, 1], [], []>, transpose_lhs_hint = false} : vector<1x16xf32>, vector<16x768xf32>, vector<1x768xf32> -> vector<1x768xf32>
    %swap3A_92 = arith.index_cast %scan3A_79 : i32 to index
    %swap3A_93 = arith.constant 0 : index
    %swap3A_94 = vector.load %arg11[%swap3A_92, %swap3A_93] : memref<896x768xf32, #tpu.memory_space<vmem>>, vector<1x768xf32>
    tpu.vector_store %arg11[%swap3A_92, %swap3A_93], %dot_general3A_91 {strides = array<i32>} : memref<896x768xf32, #tpu.memory_space<vmem>>, vector<1x768xf32>,
    %scan3A_95 = arith.constant 819 : i32
    %get3A_96 = arith.constant 0 : index
    %get3A_97 = arith.constant 0 : index
    %get3A_98 = vector.load %arg11[%get3A_96, %get3A_97] : memref<896x768xf32, #tpu.memory_space<vmem>>, vector<896x768xf32>
    %get3A_99 = arith.constant 0 : index
    %get3A_100 = arith.constant 0 : index
    %get3A_101 = vector.load %arg7[%get3A_99, %get3A_100] : memref<384x1024xbf16, #tpu.memory_space<vmem>>, vector<384x1024xbf16>
    %get3A_102 = arith.constant 0 : index
    %get3A_103 = arith.constant 0 : index
    %get3A_104 = vector.load %arg8[%get3A_102, %get3A_103] : memref<1x1024xf32, #tpu.memory_space<vmem>>, vector<1x1024xf32>
    %slice3A_105 = vector.extract_strided_slice %get3A_98 {offsets = [0, 0], sizes = [896, 384], strides = [1, 1]} : vector<896x768xf32> to vector<896x384xf32>
    %convert_element_type3A_106 = arith.truncf %slice3A_105 : vector<896x384xf32> to vector<896x384xbf16>
    %dot_general3A_107 = arith.constant dense<0.000000e+00> : vector<896x1024xf32>
    %dot_general3A_108 = tpu.matmul %convert_element_type3A_106, %get3A_101, %dot_general3A_107 {dimension_numbers = #tpu.dot_dimension_numbers<[1], [0], [0], [1], [0, 0, 1, 1], [], []>, transpose_lhs_hint = false} : vector<896x384xbf16>, vector<384x1024xbf16>, vector<896x1024xf32> -> vector<896x1024xf32>
    %add3A_109 = vector.broadcast %get3A_104 : vector<1x1024xf32> to vector<896x1024xf32>
    %add3A_110 = arith.addf %dot_general3A_108, %add3A_109 : vector<896x1024xf32>
    %get3A_111 = arith.constant 0 : index
    %get3A_112 = arith.constant 0 : index
    %get3A_113 = vector.load %arg2[%get3A_111, %get3A_112] : memref<1792x1024xf32, #tpu.memory_space<vmem>>, vector<896x1024xf32>
    %add3A_114 = arith.addf %add3A_110, %get3A_113 : vector<896x1024xf32>
    %swap3A_115 = arith.constant 0 : index
    %swap3A_116 = arith.constant 0 : index
    %swap3A_117 = vector.load %arg9[%swap3A_115, %swap3A_116] : memref<1792x1024xf32, #tpu.memory_space<vmem>>, vector<896x1024xf32>
    tpu.vector_store %arg9[%swap3A_115, %swap3A_116], %add3A_114 {strides = array<i32>} : memref<1792x1024xf32, #tpu.memory_space<vmem>>, vector<896x1024xf32>,
    %slice3A_118 = vector.extract_strided_slice %get3A_98 {offsets = [0, 384], sizes = [896, 384], strides = [1, 1]} : vector<896x768xf32> to vector<896x384xf32>
    %convert_element_type3A_119 = arith.truncf %slice3A_118 : vector<896x384xf32> to vector<896x384xbf16>
    %dot_general3A_120 = arith.constant dense<0.000000e+00> : vector<896x1024xf32>
    %dot_general3A_121 = tpu.matmul %convert_element_type3A_119, %get3A_101, %dot_general3A_120 {dimension_numbers = #tpu.dot_dimension_numbers<[1], [0], [0], [1], [0, 0, 1, 1], [], []>, transpose_lhs_hint = false} : vector<896x384xbf16>, vector<384x1024xbf16>, vector<896x1024xf32> -> vector<896x1024xf32>
    %add3A_122 = vector.broadcast %get3A_104 : vector<1x1024xf32> to vector<896x1024xf32>
    %add3A_123 = arith.addf %dot_general3A_121, %add3A_122 : vector<896x1024xf32>
    %get3A_124 = arith.constant 896 : index
    %get3A_125 = arith.constant 0 : index
    %get3A_126 = vector.load %arg2[%get3A_124, %get3A_125] : memref<1792x1024xf32, #tpu.memory_space<vmem>>, vector<896x1024xf32>
    %add3A_127 = arith.addf %add3A_123, %get3A_126 : vector<896x1024xf32>
    %swap3A_128 = arith.constant 896 : index
    %swap3A_129 = arith.constant 0 : index
    %swap3A_130 = vector.load %arg9[%swap3A_128, %swap3A_129] : memref<1792x1024xf32, #tpu.memory_space<vmem>>, vector<896x1024xf32>
    tpu.vector_store %arg9[%swap3A_128, %swap3A_129], %add3A_127 {strides = array<i32>} : memref<1792x1024xf32, #tpu.memory_space<vmem>>, vector<896x1024xf32>,
    return
  }
  func.func @transform_0(%arg0: i32) -> (i32, i32) {
    %c0_i32 = arith.constant 0 : i32
    %c0_i32_0 = arith.constant 0 : i32
    %c0_i32_1 = arith.constant 0 : i32
    return %c0_i32, %c0_i32_0 : i32, i32
  }
  func.func @transform_1(%arg0: i32) -> (i32, i32) {
    %c0_i32 = arith.constant 0 : i32
    %c0_i32_0 = arith.constant 0 : i32
    %c0_i32_1 = arith.constant 0 : i32
    return %c0_i32, %c0_i32_0 : i32, i32
  }
  func.func @transform_2(%arg0: i32) -> (i32, i32) {
    %c0_i32 = arith.constant 0 : i32
    %c0_i32_0 = arith.constant 0 : i32
    %c0_i32_1 = arith.constant 0 : i32
    return %c0_i32, %c0_i32_0 : i32, i32
  }
  func.func @transform_3(%arg0: i32) -> (i32, i32) {
    %c0_i32 = arith.constant 0 : i32
    %c0_i32_0 = arith.constant 0 : i32
    %c0_i32_1 = arith.constant 0 : i32
    return %c0_i32, %c0_i32_0 : i32, i32
  }
  func.func @transform_4(%arg0: i32) -> (i32, i32) {
    %c0_i32 = arith.constant 0 : i32
    %c0_i32_0 = arith.constant 0 : i32
    %c0_i32_1 = arith.constant 0 : i32
    return %c0_i32, %c0_i32_0 : i32, i32
  }
  func.func @transform_5(%arg0: i32) -> (i32, i32) {
    %c0_i32 = arith.constant 0 : i32
    %c0_i32_0 = arith.constant 0 : i32
    %c0_i32_1 = arith.constant 0 : i32
    return %c0_i32, %c0_i32_0 : i32, i32
  }
  func.func @transform_6(%arg0: i32) -> (i32, i32) {
    %c0_i32 = arith.constant 0 : i32
    %c0_i32_0 = arith.constant 0 : i32
    %c0_i32_1 = arith.constant 0 : i32
    return %c0_i32, %c0_i32_0 : i32, i32
  }
  func.func @transform_7(%arg0: i32) -> (i32, i32) {
    %c0_i32 = arith.constant 0 : i32
    %c0_i32_0 = arith.constant 0 : i32
    %c0_i32_1 = arith.constant 0 : i32
    return %c0_i32, %c0_i32_0 : i32, i32
  }
  func.func @transform_8(%arg0: i32) -> (i32, i32) {
    %c0_i32 = arith.constant 0 : i32
    %c0_i32_0 = arith.constant 0 : i32
    %c0_i32_1 = arith.constant 0 : i32
    return %c0_i32, %c0_i32_0 : i32, i32
  }
}

</mosaic_0001>

<sc_bundles>
// kernel: kernel.6.cloned.1.call-start
scs
__scs_entry_jumppad:
0x0: {  	(pc) =	sbr.rel $0x88, $3  }
0x1: {  	(tag) =	ssettag $0x0;
	lr =	simm.s32 $0x1  }
0x2: {  	[smem:$0x3F93] =	sst lr;
	_ =	strace $0xD0000000  }
0x3: {  	_ = 	snop  }
0x4: {  	_ = 	snop  }
0x5: {  	_ = 	snop  }
0x6: {  	_ = 	snop  }
0x7: {  	_ = 	snop  }
__scs_overlays_trampoline_lowered:
0x8: {  	[smem:$0x3FA2] =	sst s0  }
0x9: {  	[smem:$0x3FA3] =	sst s1  }
0xa: {  	[smem:$0x3FA4] =	sst s2  }
0xb: {  	[smem:$0x3FA5] =	sst s3  }
0xc: {  	[smem:$0x3FA6] =	sst s4  }
0xd: {  	[smem:$0x3FA7] =	sst s5  }
0xe: {  	[smem:$0x3FA8] =	sst s6  }
0xf: {  	[smem:$0x3FA9] =	sst s7  }
0x10: {  	[smem:$0x3FAA] =	sst s8  }
0x11: {  	[smem:$0x3FAB] =	sst s9;
	s0 =	simm.s32 @!p0 $0x0  }
0x12: {  	s1 =	sld [smem:$0x3F91];
	s0 =	simm.s32 @p0 $0x1  }
0x13: {  	[smem:$0x3FAC] =	sst s0;
	s0 =	simm.s32 @!p1 $0x0  }
0x14: {  	s2 =	sld [smem:$0x3F90];
	s0 =	simm.s32 @p1 $0x1  }
0x15: {  	[smem:$0x3FAD] =	sst s0;
	s0 =	simm.s32 @!p2 $0x0  }
0x16: {  	s3 =	sld [smem:$0x3FDB];
	s0 =	simm.s32 @p2 $0x1  }
0x17: {  	s4 =	simm.s32 $0x1BF5;
	[smem:$0x3FAF] =	sst s0  }
0x18: {  	s0 =	sld [smem:$0x3F92];
	_ =	swait.ge [sflag:s4], $0x0  }
0x19: {  	s7 =	sld [smem:$0x3F93]  }
0x1a: {  	s8 =	sadd.s32 $0xFFFFE003, lr  }
0x1b: {  	s9 =	sadd.s32 $0xFFFFFEF7, lr;
	s5 =	simm.s32 $0xFFFFFFFF;
	p2 =	slt.u32 s8, $0xFFFFF086  }
0x1c: {  	p1 =	slt.u32 s9, $0xF7A;
	s5 =	simm.s32 @!p2 $0x0  }
0x1d: {  	s5 =	simm.s32 @p1 $0x1;
	p0 =	seq.s32 s7, s2  }
0x1e: {  	s7 =	smul.u32 @!p0 $0xF7A, s2;
	p2 =	seq.s32 @!p0 s5, $0x0  }
0x1f: {  	s9 =	smul.u32 $0xF7A, s1;
	s8 =	simm.s32 @!p0 $0x1BF5;
	p2 =	por !p2, p0  }
0x20: {  	[sflag:s8] =	ssyncset.s32 @!p0 $0xFFFFF086;
	s6 =	sadd.s32 @!p0 s3, s7;
	s7 =	simm.s32 @!p0 $0x108  }
0x21: {  	s3 =	sadd.s32 s3, s9;
	s6 =	sadd.s32 @!p0 $0x88, s6;
	s7 =	simm.s32 @p2 $0x1082  }
0x22: {  	[simem:s7], [sflag:s8] =	dma.local @!p0 [hbm:s6], $0xF7A  }
0x23: {  	s9 =	sor.u32 $0xD0000000, s2;
	s6 =	simm.s32 $0x108;
	_ =	swait.ge @!p0 [sflag:s8], $0x0  }
0x24: {  	s3 =	sadd.s32 $0x88, s3;
	s6 =	simm.s32 @!p1 $0x1082;
	[sflag:s4] =	ssyncset.s32 $0xFFFFF086  }
0x25: {  	[simem:s6], [sflag:s4] =	dma.local [hbm:s3], $0xF7A  }
0x26: {  	[smem:$0x3F93] =	sst s1;
	(tag) =	ssettag s2;
	_ =	strace s9  }
0x27: {  	s1 =	sld [smem:$0x3FA3]  }
0x28: {  	s2 =	sld [smem:$0x3FA4]  }
0x29: {  	s4 =	sld [smem:$0x3FA6]  }
0x2a: {  	p0 =	seq.s32 s5, $0x0;
	s5 =	sld [smem:$0x3FA7]  }
0x2b: {  	s6 =	sld [smem:$0x3FA8]  }
0x2c: {  	s7 =	sld [smem:$0x3FA9]  }
0x2d: {  	s3 =	simm.s32 $0x108;
	s8 =	sld [smem:$0x3FAA]  }
0x2e: {  	s3 =	simm.s32 @!p0 $0x1082;
	s9 =	sld [smem:$0x3FAB]  }
0x2f: {  	lr =	sadd.s32 s0, s3;
	s0 =	sld [smem:$0x3FA2]  }
0x30: {  	s3 =	sld [smem:$0x3FA5]  }
0x31: {  	[smem:$0x3FAE] =	sst s10  }
0x32: {  	s10 =	sld [smem:$0x3FAC];
	_ =	sdelay $0x3  }
0x33: {  	p0 =	seq.s32 s10, $0x1;
	s10 =	sld [smem:$0x3FAE];
	_ =	sdelay $0x3  }
0x34: {  	[smem:$0x3FAE] =	sst s10  }
0x35: {  	s10 =	sld [smem:$0x3FAD];
	_ =	sdelay $0x3  }
0x36: {  	p1 =	seq.s32 s10, $0x1;
	s10 =	sld [smem:$0x3FAE];
	_ =	sdelay $0x3  }
0x37: {  	[smem:$0x3FAE] =	sst s10  }
0x38: {  	s10 =	sld [smem:$0x3FAF]  }
0x39: {  	_ = 	snop;
	(pc) =	sbr.ind lr, $3  }
0x3a: {  	_ = 	snop  }
0x3b: {  	_ = 	snop  }
0x3c: {  	p2 =	seq.s32 s10, $0x1;
	s10 =	sld [smem:$0x3FAE]  }
0x3d: {  	_ =	shalt  }
0x3e: {  	_ =	shalt  }
0x3f: {  	_ =	shalt  }
0x40: {  	_ =	shalt  }
0x41: {  	_ =	shalt  }
0x42: {  	_ =	shalt  }
0x43: {  	_ =	shalt  }
0x44: {  	_ =	shalt  }
0x45: {  	_ =	shalt  }
0x46: {  	_ =	shalt  }
0x47: {  	_ =	shalt  }
0x48: {  	_ =	shalt  }
0x49: {  	_ =	shalt  }
0x4a: {  	_ =	shalt  }
0x4b: {  	_ =	shalt  }
0x4c: {  	_ =	shalt  }
0x4d: {  	_ =	shalt  }
0x4e: {  	_ =	shalt  }
0x4f: {  	_ =	shalt  }
0x50: {  	_ =	shalt  }
0x51: {  	_ =	shalt  }
0x52: {  	_ =	shalt  }
0x53: {  	_ =	shalt  }
0x54: {  	_ =	shalt  }
0x55: {  	_ =	shalt  }
0x56: {  	_ =	shalt  }
0x57: {  	_ =	shalt  }
0x58: {  	_ =	shalt  }
0x59: {  	_ =	shalt  }
0x5a: {  	_ =	shalt  }
0x5b: {  	_ =	shalt  }
0x5c: {  	_ =	shalt  }
0x5d: {  	_ =	shalt  }
0x5e: {  	_ =	shalt  }
0x5f: {  	_ =	shalt  }
0x60: {  	_ =	shalt  }
0x61: {  	_ =	shalt  }
0x62: {  	_ =	shalt  }
0x63: {  	_ =	shalt  }
0x64: {  	_ =	shalt  }
0x65: {  	_ =	shalt  }
0x66: {  	_ =	shalt  }
0x67: {  	_ =	shalt  }
0x68: {  	_ =	shalt  }
0x69: {  	_ =	shalt  }
0x6a: {  	_ =	shalt  }
0x6b: {  	_ =	shalt  }
0x6c: {  	_ =	shalt  }
0x6d: {  	_ =	shalt  }
0x6e: {  	_ =	shalt  }
0x6f: {  	_ =	shalt  }
0x70: {  	_ =	shalt  }
0x71: {  	_ =	shalt  }
0x72: {  	_ =	shalt  }
0x73: {  	_ =	shalt  }
0x74: {  	_ =	shalt  }
0x75: {  	_ =	shalt  }
0x76: {  	_ =	shalt  }
0x77: {  	_ =	shalt  }
0x78: {  	_ =	shalt  }
0x79: {  	_ =	shalt  }
0x7a: {  	_ =	shalt  }
0x7b: {  	_ =	shalt  }
0x7c: {  	_ =	shalt  }
0x7d: {  	_ =	shalt  }
0x7e: {  	_ =	shalt  }
0x7f: {  	_ =	shalt  }
0x80: {  	_ =	shalt  }
0x81: {  	_ =	shalt  }
0x82: {  	_ =	shalt  }
0x83: {  	_ =	shalt  }
0x84: {  	_ =	shalt  }
0x85: {  	_ =	shalt  }
0x86: {  	_ =	shalt  }
0x87: {  	_ =	shalt  }
.Lfunc_end0:
.L_simem_size_0:
called_computation_lowered:
.L_overlay_start_0:
0x88: {  	s2 =	sld [smem:$0x3FD9]  }
0x89: {  	s3 =	sld [smem:$0x3FFE];
	_ =	sdelay $0x1  }
0x8a: {  	s1 =	srdreg.scid  }
0x8b: {  	s0 =	sand.u32 $0x1, s1  }
0x8c: {  	s17 =	sshll.u32 s0, $0xA;
	s2 =	sadd.s32 s3, s2  }
0x8d: {  	s2 =	sadd.s32 s2, s17  }
0x8e: {  	[smem:$0x3FBA] =	sst s2  }
0x8f: {  	_ = 	snop  }
0x90: {  	s2 =	sld [smem:$0x3FC9]  }
0x91: {  	s18 =	sld [smem:$0x3FD0];
	(tm) =	ssettm $0x1  }
0x92: {  	s4 =	sld [smem:$0x3FFB];
	_ =	sdelay $0x3  }
0x93: {  	_ =	strace s4  }
0x94: {  	s4 =	sld [smem:$0x3FFC];
	_ =	sdelay $0x3  }
0x95: {  	_ =	strace s4  }
0x96: {  	s4 =	sld [smem:$0x3FFD];
	_ =	sdelay $0x3  }
0x97: {  	_ =	strace s4  }
0x98: {  	_ =	strace $0x8FFFFFFF  }
0x99: {  	s19 =	sld [smem:$0x3FDB];
	_ =	sdelay $0x1  }
0x9a: {  	s5 =	simm.s32 $_scs_section_size  }
0x9b: {  	s6 =	simm.s32 $_size__tile_overlayer_lowered;
	s7 =	simm.s32 $_tile_overlayer_lowered  }
0x9c: {  	s22 =	simm.s32 $0x1BFF;
	s21 =	sshll.u32 s7, $0x1;
	s4 =	sadd.s32 s5, s19  }
0x9d: {  	s8 =	simm.s32 $0x0;
	s20 =	sshll.u32 s6, $0x1;
	s6 =	sadd.s32 s21, s4  }
0x9e: {  	[timem:s8], [sflag:s22] =	dma.local [hbm:s6], s20  }
0x9f: {  	_ =	swait.ge [sflag:s22], s20  }
0xa0: {  	s5 =	ssub.s32 $0x0, s20;
	[sflag:s22] =	ssyncset.done $0x0  }
0xa1: {  	[sflag:s22] =	ssyncadd.s32 s5;
	_ =	sdelay $0x1  }
0xa2: {  	s23 =	simm.s32 $0x1B8B  }
0xa3: {  	_ =	swait.ge [sflag:s23], $0x1  }
0xa4: {  	[sflag:s23] =	ssyncset.done $0x0  }
0xa5: {  	s25 =	simm.s32 $0x1B8E;
	s24 =	sld [smem:$0x3FFE];
	[sflag:s23] =	ssyncadd.s32 $0xFFFFFFFF  }
0xa6: {  	s26 =	simm.s32 $execute0_lowered;
	[smem:$0x3FD2] =	sst s25  }
0xa7: {  	s6 =	sshll.u32 s26, $0x1;
	_ =	strace $0x80000046;
	[dreg:$0x1] =	wrdreg $0xFFFFFFFF  }
0xa8: {  	s28 =	simm.s32 $_size_execute0_lowered;
	s4 =	sadd.s32 s4, s6;
	[dreg:$0x0] =	wrdreg $0x0  }
0xa9: {  	s6 =	sshll.u32 s28, $0x1;
	[dreg:$0x2] =	wrdreg s4  }
0xaa: {  	[dreg:$0x3] =	wrdreg s6  }
0xab: {  	[dreg:$0x4] =	wrdreg $0xC0  }
0xac: {  	_ =	task [dreg:s8], $0x5FFFF  }
0xad: {  	[dreg:$0x1] =	wrdreg $0xFFFFFFFF  }
0xae: {  	[dreg:$0x0] =	wrdreg $0x60  }
0xaf: {  	[dreg:$0x2] =	wrdreg s18  }
0xb0: {  	[dreg:$0x3] =	wrdreg s2  }
0xb1: {  	[dreg:$0x4] =	wrdreg s24  }
0xb2: {  	[dreg:$0x5] =	wrdreg $0x9  }
0xb3: {  	_ =	task.clear_ibuf [dreg:s8], $0x6FFFF;
	_ =	strace $0x90000046  }
0xb4: {  	s29 =	simm.s32 $0x9;
	_ =	strace $0x80000048  }
0xb5: {  	_ =	swait.ge [sflag:s29], $0x1  }
0xb6: {  	[sflag:s29] =	ssyncadd.s32 $0xFFFFFFFF  }
0xb7: {  	_ =	strace $0x90000048  }
0xb8: {  	_ =	sfence  }
0xb9: {  	s30 =	sld [smem:$0x0];
	_ =	sdelay $0x2  }
0xba: {  	s31 =	sshll.u32 s1, $0xD;
	s1 =	sshrl.u32 s1, $0x2  }
0xbb: {  	s3 =	sand.u32 $0x4000, s31;
	s1 =	sadd.s32 s1, s30  }
0xbc: {  	s0 =	sor.u32 s3, s0;
	s1 =	sshll.u32 s1, $0x11  }
0xbd: {  	s0 =	sor.u32 s1, s0  }
0xbe: {  	s0 =	sadd.s32 $0x8F2B, s0  }
0xbf: {  	[sflag:s0] =	ssyncadd.remote.s32 $0x1  }
0xc0: {  	_ =	sfence.sel $0xFFFF  }
0xc1: {  	[dreg:$0x0] =	wrdreg $0xFFFFFFFF;
	(pc) =	sbr.abs _section_cstart, $3  }
0xc2: {  	[dreg:$0x1] =	wrdreg $0xFFFFFFFF  }
0xc3: {  	_ =	task.clear_ibuf [dreg:s8], $0x2FFFF;
	_ =	strace $0x9FFFFFFF  }
0xc4: {  	(tm) =	ssettm $0x7FFFFFFF  }
0xc5: {  	_ =	shalt  }
tec
execute0_lowered:
.L_overlay_start_1:
0x0: {  	(tag) =	ssettag $0x1  }
0x1: {  	s1 =	srdreg.scid;
	s0 =	stileid.u32  }
0x2: {  	s2 =	sand.u32 $0x1, s1;
	s21 =	sshll.u32 s0, $0x1  }
0x3: {  	s3 =	rddreg [dreg:$0x1];
	s5 =	sor.u32 s2, s21  }
0x4: {  	s7 =	rddreg [dreg:$0x2];
	s4 =	sand.u32 $0xF, s5  }
0x5: {  	s1 =	rddreg [dreg:$0x0];
	s6 =	smul.u32 $0xA800, s4;
	s4 =	simm.s32 $0x0  }
0x6: {  	s24 =	simm.s32 $0x880;
	s25 =	simm.s32 $0xC80;
	[smem:$0x7FF] =	sst s4  }
0x7: {  	s26 =	simm.s32 $0x1480;
	_ =	strace $0x80000047;
	[dreg:$0x7] =	wrdreg s24  }
0x8: {  	s10 =	simm.s32 $0x3880;
	s9 =	smul.u32 $0x7, s5;
	[dreg:$0x8] =	wrdreg s25  }
0x9: {  	s22 =	sshrl.u32 s0, $0x3;
	s0 =	simm.s32 $0x1880;
	[dreg:$0x9] =	wrdreg s26  }
0xa: {  	s23 =	sadd.s32 s9, s7;
	s9 =	simm.s32 $0x3080;
	[dreg:$0xa] =	wrdreg s0  }
0xb: {  	s11 =	simm.s32 $0x3C80;
	s12 =	simm.s32 $0x4480;
	[dreg:$0xe] =	wrdreg s9  }
0xc: {  	s13 =	simm.s32 $0x4880;
	s14 =	simm.s32 $0x5080;
	[dreg:$0xf] =	wrdreg s10  }
0xd: {  	s15 =	simm.s32 $0x5C80;
	s16 =	simm.s32 $0x6480;
	[dreg:$0x10] =	wrdreg s11  }
0xe: {  	s17 =	simm.s32 $0x6C80;
	s19 =	simm.s32 $0x7480;
	[dreg:$0x11] =	wrdreg s12  }
0xf: {  	s20 =	simm.s32 $0x7C80;
	s28 =	simm.s32 $0x12C80;
	[dreg:$0x12] =	wrdreg s13  }
0x10: {  	s29 =	simm.s32 $0x1;
	s30 =	simm.s32 $0x2;
	[dreg:$0x13] =	wrdreg s14  }
0x11: {  	s31 =	simm.s32 $0xC00;
	s8 =	smul.u32 $0xC00, s22;
	[dreg:$0x14] =	wrdreg s15  }
0x12: {  	s2 =	ssub.s32 $0x2, s2;
	s21 =	simm.s32 $0x8480;
	[dreg:$0x15] =	wrdreg s16  }
0x13: {  	s5 =	smul.u32 $0x1C00, s5;
	s18 =	sshrl.u32 s2, $0x1;
	[dreg:$0x16] =	wrdreg s17  }
0x14: {  	s22 =	simm.s32 $0x8C80;
	s2 =	ssub.s32 s2, s18;
	[dreg:$0x17] =	wrdreg s19  }
0x15: {  	s18 =	simm.s32 $0xE480;
	s5 =	sadd.s32 s5, s7;
	[dreg:$0x18] =	wrdreg s20  }
0x16: {  	s6 =	sadd.s32 s8, s6;
	s8 =	sadd.s32 $0xA00, s23;
	[dreg:$0x19] =	wrdreg s21  }
0x17: {  	s5 =	sadd.s32 $0xC00, s5;
	[dreg:$0x1a] =	wrdreg s22;
	s23 =	simm.s32 $0x9480  }
0x18: {  	s10 =	simm.s32 $0x9C80;
	s9 =	smax.u32 s2, $0x1;
	s24 =	simm.s32 $0xA480  }
0x19: {  	s25 =	simm.s32 $0xAC80;
	s11 =	simm.s32 $0x80;
	s26 =	simm.s32 $0xB480  }
0x1a: {  	s12 =	simm.s32 $0x5480;
	s14 =	simm.s32 $0xC480;
	[dreg:$0x4] =	wrdreg s8  }
0x1b: {  	s15 =	simm.s32 $0xCC80;
	s16 =	simm.s32 $0xD480;
	[dreg:$0x6] =	wrdreg s5  }
0x1c: {  	s17 =	simm.s32 $0xDC80;
	s19 =	simm.s32 $0xEC80;
	[dreg:$0x1b] =	wrdreg s23  }
0x1d: {  	s20 =	simm.s32 $0xF480;
	s21 =	simm.s32 $0xFC80;
	[dreg:$0x1c] =	wrdreg s10  }
0x1e: {  	s22 =	simm.s32 $0x10480;
	s2 =	simm.s32 $0x1800;
	[dreg:$0x1d] =	wrdreg s24  }
0x1f: {  	s6 =	sshrl.u32 s6, $0x3;
	s8 =	simm.s32 $0x2C80;
	[dreg:$0x1e] =	wrdreg s25  }
0x20: {  	s5 =	sadd.s32 $0x100, s1;
	s10 =	simm.s32 $0x3;
	[dreg:$0x1f] =	wrdreg s26  }
0x21: {  	s23 =	simm.s32 $0x10C80;
	s24 =	simm.s32 $0x11480;
	s25 =	simm.s32 $0x11C80  }
0x22: {  	s6 =	sadd.s32 s6, s7;
	s7 =	simm.s32 $0x2480;
	[dreg:$0xd] =	wrdreg s8  }
0x23: {  	v2 =	vlaneseq.u32;
	s26 =	simm.s32 $0x12480;
	s6 =	sadd.s32 $0x38C00, s6;
	[dreg:$0xc] =	wrdreg s7  }
0x24: {  	vm0 =	vmmov $0xffff;
	vm1 =	vmmov $0xff;
	v1 =	vshrl.u32 v2, $0x3;
	s8 =	sadd.s32 $0x300, s3;
	[dreg:$0x5] =	wrdreg s6;
	s6 =	simm.s32 $0x2080  }
0x25: {  	v0 =	vand.u32 $0x7, v2;
	v2 =	vor.u32 $0x8, v2;
	v1 =	vmul.u32 $0x8, v1;
	s7 =	sadd.s32 $0x200, s3;
	[dreg:$0xb] =	wrdreg s6;
	s6 =	sadd.s32 $0x100, s3  }
.LBB2_1:
0x26: {  	s0 =	rddreg [dreg:$0x4]  }
0x27: {  	[tilespmem:s4], [sflag:$0x3] =	stream.linear.gather [hbm4b:s0+s4], $0x38, $0x38;
	[tilespmem:$0x13480] =	vst v63  }
0x28: {  	_ =	swait.ge [sflag:s10], $0x38  }
0x29: {  	[sflag:s10] =	ssyncset.done $0x0  }
0x2a: {  	[sflag:s10] =	ssyncadd.s32 $0xFFFFFFC8  }
0x2b: {  	v3 =	vld [tilespmem:$0x0];
	_ =	sdelay $0x4  }
0x2c: {  	v4 =	vshrl.u32 v3, $0x3  }
0x2d: {  	v4 =	vmul.u32 $0x18, v4  }
0x2e: {  	v3 =	vand.u32 $0x7, v3  }
0x2f: {  	v3 =	vor.u32 v3, v4  }
0x30: {  	v4 =	vperm.xlane v3, v0;
	_ =	sdelay $0x1  }
0x31: {  	v4 =	vadd.s32 v1, v4;
	_ =	sdelay $0x1  }
0x32: {  	v3 =	vperm.xlane v3, v2;
	_ =	sdelay $0x1  }
0x33: {  	v3 =	vadd.s32 v1, v3  }
0x34: {  	[tilespmem:s11], [sflag:$0x1] =	stream.indirect_vreg.gather [hbm4b:s1+s4], $0x80, v4, vm0, $0xb8;
	[tilespmem:$0x13480] =	vst v63  }
0x35: {  	s0 =	rddreg [dreg:$0x7]  }
0x36: {  	[tilespmem:s0], [sflag:$0x1] =	stream.indirect_vreg.gather [hbm4b:s5+s4], $0x80, v4, vm1, $0xb8;
	[tilespmem:$0x13480] =	vst v63  }
0x37: {  	s13 =	rddreg [dreg:$0x8]  }
0x38: {  	[tilespmem:s13], [sflag:$0x1] =	stream.indirect_vreg.gather [hbm4b:s1+s4], $0x80, v3, vm0, $0xb8;
	[tilespmem:$0x13480] =	vst v63  }
0x39: {  	s0 =	rddreg [dreg:$0x9]  }
0x3a: {  	[tilespmem:s0], [sflag:$0x1] =	stream.indirect_vreg.gather [hbm4b:s5+s4], $0x80, v3, vm1, $0xb8;
	[tilespmem:$0x13480] =	vst v63  }
0x3b: {  	v3 =	vld [tilespmem:$0x10];
	_ =	sdelay $0x4  }
0x3c: {  	v57 =	vshrl.u32 v3, $0x3  }
0x3d: {  	v4 =	vmul.u32 $0x18, v57  }
0x3e: {  	v3 =	vand.u32 $0x7, v3  }
0x3f: {  	v3 =	vor.u32 v3, v4  }
0x40: {  	v4 =	vperm.xlane v3, v0;
	_ =	sdelay $0x1  }
0x41: {  	v4 =	vadd.s32 v1, v4;
	_ =	sdelay $0x1  }
0x42: {  	v3 =	vperm.xlane v3, v2;
	_ =	sdelay $0x1  }
0x43: {  	s0 =	rddreg [dreg:$0xa];
	v3 =	vadd.s32 v1, v3  }
0x44: {  	[tilespmem:s0], [sflag:$0x1] =	stream.indirect_vreg.gather [hbm4b:s1+s4], $0x80, v4, vm0, $0xb8;
	[tilespmem:$0x13480] =	vst v63  }
0x45: {  	s13 =	rddreg [dreg:$0xb]  }
0x46: {  	[tilespmem:s13], [sflag:$0x1] =	stream.indirect_vreg.gather [hbm4b:s5+s4], $0x80, v4, vm1, $0xb8;
	[tilespmem:$0x13480] =	vst v63  }
0x47: {  	s0 =	rddreg [dreg:$0xc]  }
0x48: {  	[tilespmem:s0], [sflag:$0x1] =	stream.indirect_vreg.gather [hbm4b:s1+s4], $0x80, v3, vm0, $0xb8;
	[tilespmem:$0x13480] =	vst v63  }
0x49: {  	s13 =	rddreg [dreg:$0xd]  }
0x4a: {  	[tilespmem:s13], [sflag:$0x1] =	stream.indirect_vreg.gather [hbm4b:s5+s4], $0x80, v3, vm1, $0xb8;
	[tilespmem:$0x13480] =	vst v63  }
0x4b: {  	v3 =	vld [tilespmem:$0x20];
	_ =	sdelay $0x4  }
0x4c: {  	v58 =	vshrl.u32 v3, $0x3  }
0x4d: {  	v4 =	vmul.u32 $0x18, v58  }
0x4e: {  	v3 =	vand.u32 $0x7, v3  }
0x4f: {  	v3 =	vor.u32 v3, v4  }
0x50: {  	v4 =	vperm.xlane v3, v0;
	_ =	sdelay $0x1  }
0x51: {  	v4 =	vadd.s32 v1, v4;
	_ =	sdelay $0x1  }
0x52: {  	v3 =	vperm.xlane v3, v2;
	_ =	sdelay $0x1  }
0x53: {  	s0 =	rddreg [dreg:$0xe];
	v3 =	vadd.s32 v1, v3  }
0x54: {  	[tilespmem:s0], [sflag:$0x1] =	stream.indirect_vreg.gather [hbm4b:s1+s4], $0x80, v4, vm0, $0xb8;
	[tilespmem:$0x13480] =	vst v63  }
0x55: {  	s13 =	rddreg [dreg:$0xf]  }
0x56: {  	[tilespmem:s13], [sflag:$0x1] =	stream.indirect_vreg.gather [hbm4b:s5+s4], $0x80, v4, vm1, $0xb8;
	[tilespmem:$0x13480] =	vst v63  }
0x57: {  	s0 =	rddreg [dreg:$0x10]  }
0x58: {  	[tilespmem:s0], [sflag:$0x1] =	stream.indirect_vreg.gather [hbm4b:s1+s4], $0x80, v3, vm0, $0xb8;
	[tilespmem:$0x13480] =	vst v63  }
0x59: {  	s13 =	rddreg [dreg:$0x11]  }
0x5a: {  	[tilespmem:s13], [sflag:$0x1] =	stream.indirect_vreg.gather [hbm4b:s5+s4], $0x80, v3, vm1, $0xb8;
	[tilespmem:$0x13480] =	vst v63  }
0x5b: {  	v3 =	vld.msk [tilespmem:$0x30], $0xff;
	_ =	sdelay $0x4  }
0x5c: {  	v59 =	vshrl.u32 v3, $0x3  }
0x5d: {  	v4 =	vmul.u32 $0x18, v59  }
0x5e: {  	v3 =	vand.u32 $0x7, v3  }
0x5f: {  	v3 =	vor.u32 v3, v4  }
0x60: {  	v3 =	vperm.xlane v3, v0;
	_ =	sdelay $0x1  }
0x61: {  	v3 =	vadd.s32 v1, v3;
	_ =	sdelay $0x3  }
0x62: {  	s0 =	rddreg [dreg:$0x12]  }
0x63: {  	[tilespmem:s0], [sflag:$0x1] =	stream.indirect_vreg.gather [hbm4b:s1+s4], $0x80, v3, vm0, $0xb8;
	[tilespmem:$0x13480] =	vst v63  }
0x64: {  	s13 =	rddreg [dreg:$0x13]  }
0x65: {  	[tilespmem:s13], [sflag:$0x1] =	stream.indirect_vreg.gather [hbm4b:s5+s4], $0x80, v3, vm1, $0xb8;
	[tilespmem:$0x13480] =	vst v63  }
0x66: {  	v3 =	vld [tilespmem:$0x0];
	_ =	sdelay $0x4  }
0x67: {  	v60 =	vshll.u32 v3, $0x3  }
0x68: {  	v3 =	vand.u32 $0x7, v3;
	v4 =	vand.u32 $0xFFFFFFC0, v60  }
0x69: {  	v3 =	vor.u32 v3, v4  }
0x6a: {  	v4 =	vperm.xlane v3, v0;
	_ =	sdelay $0x1  }
0x6b: {  	v4 =	vadd.s32 v1, v4;
	_ =	sdelay $0x4  }
0x6c: {  	[tilespmem:s12], [sflag:$0x2] =	stream.indirect_vreg.gather [hbm4b:s3+s4], $0x80, v4, vm0, $0xb8;
	[tilespmem:$0x13480] =	vst v63  }
0x6d: {  	s0 =	rddreg [dreg:$0x14];
	v3 =	vperm.xlane v3, v2  }
0x6e: {  	[tilespmem:s0], [sflag:$0x2] =	stream.indirect_vreg.gather [hbm4b:s6+s4], $0x80, v4, vm0, $0xb8;
	[tilespmem:$0x13480] =	vst v63  }
0x6f: {  	s13 =	rddreg [dreg:$0x15];
	v3 =	vadd.s32 v1, v3  }
0x70: {  	[tilespmem:s13], [sflag:$0x2] =	stream.indirect_vreg.gather [hbm4b:s7+s4], $0x80, v4, vm0, $0xb8;
	[tilespmem:$0x13480] =	vst v63  }
0x71: {  	s0 =	rddreg [dreg:$0x16]  }
0x72: {  	[tilespmem:s0], [sflag:$0x2] =	stream.indirect_vreg.gather [hbm4b:s8+s4], $0x80, v4, vm0, $0xb8;
	[tilespmem:$0x13480] =	vst v63  }
0x73: {  	s13 =	rddreg [dreg:$0x17]  }
0x74: {  	[tilespmem:s13], [sflag:$0x2] =	stream.indirect_vreg.gather [hbm4b:s3+s4], $0x80, v3, vm0, $0xb8;
	[tilespmem:$0x13480] =	vst v63  }
0x75: {  	s0 =	rddreg [dreg:$0x18]  }
0x76: {  	[tilespmem:s0], [sflag:$0x2] =	stream.indirect_vreg.gather [hbm4b:s6+s4], $0x80, v3, vm0, $0xb8;
	[tilespmem:$0x13480] =	vst v63  }
0x77: {  	s13 =	rddreg [dreg:$0x19]  }
0x78: {  	[tilespmem:s13], [sflag:$0x2] =	stream.indirect_vreg.gather [hbm4b:s7+s4], $0x80, v3, vm0, $0xb8;
	[tilespmem:$0x13480] =	vst v63  }
0x79: {  	s0 =	rddreg [dreg:$0x1a]  }
0x7a: {  	[tilespmem:s0], [sflag:$0x2] =	stream.indirect_vreg.gather [hbm4b:s8+s4], $0x80, v3, vm0, $0xb8;
	[tilespmem:$0x13480] =	vst v63  }
0x7b: {  	v3 =	vld [tilespmem:$0x10];
	_ =	sdelay $0x4  }
0x7c: {  	v61 =	vshll.u32 v3, $0x3  }
0x7d: {  	v3 =	vand.u32 $0x7, v3;
	v4 =	vand.u32 $0xFFFFFFC0, v61  }
0x7e: {  	v3 =	vor.u32 v3, v4  }
0x7f: {  	v4 =	vperm.xlane v3, v0;
	_ =	sdelay $0x1  }
0x80: {  	v4 =	vadd.s32 v1, v4;
	_ =	sdelay $0x3  }
0x81: {  	s0 =	rddreg [dreg:$0x1b]  }
0x82: {  	[tilespmem:s0], [sflag:$0x2] =	stream.indirect_vreg.gather [hbm4b:s3+s4], $0x80, v4, vm0, $0xb8;
	[tilespmem:$0x13480] =	vst v63  }
0x83: {  	s13 =	rddreg [dreg:$0x1c];
	v3 =	vperm.xlane v3, v2  }
0x84: {  	[tilespmem:s13], [sflag:$0x2] =	stream.indirect_vreg.gather [hbm4b:s6+s4], $0x80, v4, vm0, $0xb8;
	[tilespmem:$0x13480] =	vst v63  }
0x85: {  	v3 =	vadd.s32 v1, v3;
	s0 =	rddreg [dreg:$0x1d]  }
0x86: {  	[tilespmem:s0], [sflag:$0x2] =	stream.indirect_vreg.gather [hbm4b:s7+s4], $0x80, v4, vm0, $0xb8;
	[tilespmem:$0x13480] =	vst v63  }
0x87: {  	s13 =	rddreg [dreg:$0x1e]  }
0x88: {  	[tilespmem:s13], [sflag:$0x2] =	stream.indirect_vreg.gather [hbm4b:s8+s4], $0x80, v4, vm0, $0xb8;
	[tilespmem:$0x13480] =	vst v63  }
0x89: {  	s0 =	rddreg [dreg:$0x1f]  }
0x8a: {  	[tilespmem:s0], [sflag:$0x2] =	stream.indirect_vreg.gather [hbm4b:s3+s4], $0x80, v3, vm0, $0xb8;
	[tilespmem:$0x13480] =	vst v63  }
0x8b: {  	s13 =	simm.s32 $0xBC80  }
0x8c: {  	[tilespmem:s13], [sflag:$0x2] =	stream.indirect_vreg.gather [hbm4b:s6+s4], $0x80, v3, vm0, $0xb8;
	[tilespmem:$0x13480] =	vst v63  }
0x8d: {  	_ = 	snop  }
0x8e: {  	[tilespmem:s14], [sflag:$0x2] =	stream.indirect_vreg.gather [hbm4b:s7+s4], $0x80, v3, vm0, $0xb8;
	[tilespmem:$0x13480] =	vst v63  }
0x8f: {  	_ = 	snop  }
0x90: {  	[tilespmem:s15], [sflag:$0x2] =	stream.indirect_vreg.gather [hbm4b:s8+s4], $0x80, v3, vm0, $0xb8;
	[tilespmem:$0x13480] =	vst v63  }
0x91: {  	v3 =	vld [tilespmem:$0x20];
	_ =	sdelay $0x4  }
0x92: {  	v62 =	vshll.u32 v3, $0x3  }
0x93: {  	v3 =	vand.u32 $0x7, v3;
	v4 =	vand.u32 $0xFFFFFFC0, v62  }
0x94: {  	v3 =	vor.u32 v3, v4  }
0x95: {  	v4 =	vperm.xlane v3, v0;
	_ =	sdelay $0x1  }
0x96: {  	v4 =	vadd.s32 v1, v4;
	_ =	sdelay $0x4  }
0x97: {  	[tilespmem:s16], [sflag:$0x2] =	stream.indirect_vreg.gather [hbm4b:s3+s4], $0x80, v4, vm0, $0xb8;
	[tilespmem:$0x13480] =	vst v63  }
0x98: {  	v3 =	vperm.xlane v3, v2  }
0x99: {  	[tilespmem:s17], [sflag:$0x2] =	stream.indirect_vreg.gather [hbm4b:s6+s4], $0x80, v4, vm0, $0xb8;
	[tilespmem:$0x13480] =	vst v63  }
0x9a: {  	v3 =	vadd.s32 v1, v3  }
0x9b: {  	[tilespmem:s18], [sflag:$0x2] =	stream.indirect_vreg.gather [hbm4b:s7+s4], $0x80, v4, vm0, $0xb8;
	[tilespmem:$0x13480] =	vst v63  }
0x9c: {  	_ = 	snop  }
0x9d: {  	[tilespmem:s19], [sflag:$0x2] =	stream.indirect_vreg.gather [hbm4b:s8+s4], $0x80, v4, vm0, $0xb8;
	[tilespmem:$0x13480] =	vst v63  }
0x9e: {  	_ = 	snop  }
0x9f: {  	[tilespmem:s20], [sflag:$0x2] =	stream.indirect_vreg.gather [hbm4b:s3+s4], $0x80, v3, vm0, $0xb8;
	[tilespmem:$0x13480] =	vst v63  }
0xa0: {  	_ = 	snop  }
0xa1: {  	[tilespmem:s21], [sflag:$0x2] =	stream.indirect_vreg.gather [hbm4b:s6+s4], $0x80, v3, vm0, $0xb8;
	[tilespmem:$0x13480] =	vst v63  }
0xa2: {  	_ = 	snop  }
0xa3: {  	[tilespmem:s22], [sflag:$0x2] =	stream.indirect_vreg.gather [hbm4b:s7+s4], $0x80, v3, vm0, $0xb8;
	[tilespmem:$0x13480] =	vst v63  }
0xa4: {  	_ = 	snop  }
0xa5: {  	[tilespmem:s23], [sflag:$0x2] =	stream.indirect_vreg.gather [hbm4b:s8+s4], $0x80, v3, vm0, $0xb8;
	[tilespmem:$0x13480] =	vst v63  }
0xa6: {  	v3 =	vld.msk [tilespmem:$0x30], $0xff;
	_ =	sdelay $0x4  }
0xa7: {  	v63 =	vshll.u32 v3, $0x3  }
0xa8: {  	v3 =	vand.u32 $0x7, v3;
	v4 =	vand.u32 $0xFFFFFFC0, v63  }
0xa9: {  	v3 =	vor.u32 v3, v4  }
0xaa: {  	v3 =	vperm.xlane v3, v0;
	_ =	sdelay $0x1  }
0xab: {  	v3 =	vadd.s32 v1, v3;
	_ =	sdelay $0x4  }
0xac: {  	[tilespmem:s24], [sflag:$0x2] =	stream.indirect_vreg.gather [hbm4b:s3+s4], $0x80, v3, vm0, $0xb8;
	[tilespmem:$0x13480] =	vst v63  }
0xad: {  	_ = 	snop  }
0xae: {  	[tilespmem:s25], [sflag:$0x2] =	stream.indirect_vreg.gather [hbm4b:s6+s4], $0x80, v3, vm0, $0xb8;
	[tilespmem:$0x13480] =	vst v63  }
0xaf: {  	_ = 	snop  }
0xb0: {  	[tilespmem:s26], [sflag:$0x2] =	stream.indirect_vreg.gather [hbm4b:s7+s4], $0x80, v3, vm0, $0xb8;
	[tilespmem:$0x13480] =	vst v63  }
0xb1: {  	_ = 	snop  }
0xb2: {  	[tilespmem:s28], [sflag:$0x2] =	stream.indirect_vreg.gather [hbm4b:s8+s4], $0x80, v3, vm0, $0xb8;
	[tilespmem:$0x13480] =	vst v63  }
0xb3: {  	_ =	swait.ge [sflag:s29], $0x5400  }
0xb4: {  	[sflag:s29] =	ssyncset.done $0x0  }
0xb5: {  	[sflag:s29] =	ssyncadd.s32 $0xFFFFAC00  }
0xb6: {  	_ =	swait.ge [sflag:s30], $0xE000  }
0xb7: {  	[sflag:s30] =	ssyncset.done $0x0  }
0xb8: {  	s13 =	rddreg [dreg:$0x5];
	[sflag:s30] =	ssyncadd.s32 $0xFFFF2000  }
0xb9: {  	[hbm4b:s13+s31] =	stream.strided.scatter [tilespmem:s11], [sflag:$0x3], $0x5400, s2, s31, $0x38;
	[tilespmem:$0x13480] =	vst v63  }
0xba: {  	_ =	swait.ge [sflag:s10], $0x5400  }
0xbb: {  	p0 =	sne.s32 s9, $0x1;
	[sflag:s10] =	ssyncset.done $0x0  }
.Ltmp0:
0xbc: {  	s13 =	rddreg [dreg:$0x6];
	[sflag:s10] =	ssyncadd.s32 $0xFFFFAC00;
	(pc) =	sbr.rel @p0 .LBB2_1-.Ltmp0, $4  }
0xbd: {  	[hbm4b:s13+s4] =	stream.linear.scatter [tilespmem:s12], [sflag:$0x3], $0xE000, $0x38;
	[tilespmem:$0x13480] =	vst v63  }
0xbe: {  	_ =	swait.ge [sflag:s10], $0xE000  }
0xbf: {  	[sflag:s10] =	ssyncset.done $0x0  }
0xc0: {  	s9 =	sadd.s32 $0xFFFFFFFF, s9;
	[sflag:s10] =	ssyncadd.s32 $0xFFFF2000  }
0xc1: {  	_ =	sfence.sel $0x180000  }
0xc2: {  	[bflag:$0x0] =	sbarrier.arrive $0xFFFF  }
0xc3: {  	_ =	strace $0x90000047  }
0xc4: {  	s0 =	stileid.u32;
	[bflag:$0x2] =	sbarrier.arrive $0xFFFF  }
0xc5: {  	p0 =	sne.s32 s0, $0x0;
	s0 =	rddreg [dreg:$0x3]  }
0xc6: {  	s0 =	sadd.s32 @!p0 $0x100000, s0  }
0xc7: {  	[sflag:s0] =	ssyncadd.tile.s32 @!p0 $0x1;
	_ =	shalt  }
.Lfunc_end2:
_tile_overlayer_lowered:
.L_overlay_start_2:
0xc8: {  	(tag) =	ssettag $0x2  }
0xc9: {  	s0 =	rddreg [dreg:$0x0];
	s2 =	stileid.u32  }
0xca: {  	s1 =	rddreg [dreg:$0x1];
	p0 =	sne.s32 s2, $0x0  }
0xcb: {  	s3 =	rddreg [dreg:$0x2];
	[bflag:$0x3] =	sbarrier.arrive $0xFFFF;
	s2 =	simm.s32 @!p0 $0x1C03  }
0xcc: {  	[timem:s3], [sflag:s2] =	dma.local @!p0 [hbm:s0], s1  }
0xcd: {  	s0 =	simm.s32 @!p0 $0x3  }
0xce: {  	_ =	swait.ge @!p0 [sflag:s0], s1  }
0xcf: {  	s1 =	ssub.s32 @!p0 $0x0, s1;
	[sflag:s0] =	ssyncset.done @!p0 $0x0  }
0xd0: {  	[sflag:s0] =	ssyncadd.s32 @!p0 s1  }
0xd1: {  	[bflag:$0x3] =	sbarrier.arrive $0xFFFF  }
0xd2: {  	_ =	shalt  }

// kernel: kernel.9.cloned.1.call-start
scs
__scs_entry_jumppad:
0x0: {  	(pc) =	sbr.rel $0x88, $3  }
0x1: {  	(tag) =	ssettag $0x0;
	lr =	simm.s32 $0x1  }
0x2: {  	[smem:$0x3F93] =	sst lr;
	_ =	strace $0xD0000000  }
0x3: {  	_ = 	snop  }
0x4: {  	_ = 	snop  }
0x5: {  	_ = 	snop  }
0x6: {  	_ = 	snop  }
0x7: {  	_ = 	snop  }
__scs_overlays_trampoline_lowered:
0x8: {  	[smem:$0x3FA2] =	sst s0  }
0x9: {  	[smem:$0x3FA3] =	sst s1  }
0xa: {  	[smem:$0x3FA4] =	sst s2  }
0xb: {  	[smem:$0x3FA5] =	sst s3  }
0xc: {  	[smem:$0x3FA6] =	sst s4  }
0xd: {  	[smem:$0x3FA7] =	sst s5  }
0xe: {  	[smem:$0x3FA8] =	sst s6  }
0xf: {  	[smem:$0x3FA9] =	sst s7  }
0x10: {  	[smem:$0x3FAA] =	sst s8  }
0x11: {  	[smem:$0x3FAB] =	sst s9;
	s0 =	simm.s32 @!p0 $0x0  }
0x12: {  	s1 =	sld [smem:$0x3F91];
	s0 =	simm.s32 @p0 $0x1  }
0x13: {  	[smem:$0x3FAC] =	sst s0;
	s0 =	simm.s32 @!p1 $0x0  }
0x14: {  	s2 =	sld [smem:$0x3F90];
	s0 =	simm.s32 @p1 $0x1  }
0x15: {  	[smem:$0x3FAD] =	sst s0;
	s0 =	simm.s32 @!p2 $0x0  }
0x16: {  	s3 =	sld [smem:$0x3FDB];
	s0 =	simm.s32 @p2 $0x1  }
0x17: {  	s4 =	simm.s32 $0x1BF5;
	[smem:$0x3FAF] =	sst s0  }
0x18: {  	s0 =	sld [smem:$0x3F92];
	_ =	swait.ge [sflag:s4], $0x0  }
0x19: {  	s7 =	sld [smem:$0x3F93]  }
0x1a: {  	s8 =	sadd.s32 $0xFFFFE003, lr  }
0x1b: {  	s9 =	sadd.s32 $0xFFFFFEF7, lr;
	s5 =	simm.s32 $0xFFFFFFFF;
	p2 =	slt.u32 s8, $0xFFFFF086  }
0x1c: {  	p1 =	slt.u32 s9, $0xF7A;
	s5 =	simm.s32 @!p2 $0x0  }
0x1d: {  	s5 =	simm.s32 @p1 $0x1;
	p0 =	seq.s32 s7, s2  }
0x1e: {  	s7 =	smul.u32 @!p0 $0xF7A, s2;
	p2 =	seq.s32 @!p0 s5, $0x0  }
0x1f: {  	s9 =	smul.u32 $0xF7A, s1;
	s8 =	simm.s32 @!p0 $0x1BF5;
	p2 =	por !p2, p0  }
0x20: {  	[sflag:s8] =	ssyncset.s32 @!p0 $0xFFFFF086;
	s6 =	sadd.s32 @!p0 s3, s7;
	s7 =	simm.s32 @!p0 $0x108  }
0x21: {  	s3 =	sadd.s32 s3, s9;
	s6 =	sadd.s32 @!p0 $0x88, s6;
	s7 =	simm.s32 @p2 $0x1082  }
0x22: {  	[simem:s7], [sflag:s8] =	dma.local @!p0 [hbm:s6], $0xF7A  }
0x23: {  	s9 =	sor.u32 $0xD0000000, s2;
	s6 =	simm.s32 $0x108;
	_ =	swait.ge @!p0 [sflag:s8], $0x0  }
0x24: {  	s3 =	sadd.s32 $0x88, s3;
	s6 =	simm.s32 @!p1 $0x1082;
	[sflag:s4] =	ssyncset.s32 $0xFFFFF086  }
0x25: {  	[simem:s6], [sflag:s4] =	dma.local [hbm:s3], $0xF7A  }
0x26: {  	[smem:$0x3F93] =	sst s1;
	(tag) =	ssettag s2;
	_ =	strace s9  }
0x27: {  	s1 =	sld [smem:$0x3FA3]  }
0x28: {  	s2 =	sld [smem:$0x3FA4]  }
0x29: {  	s4 =	sld [smem:$0x3FA6]  }
0x2a: {  	p0 =	seq.s32 s5, $0x0;
	s5 =	sld [smem:$0x3FA7]  }
0x2b: {  	s6 =	sld [smem:$0x3FA8]  }
0x2c: {  	s7 =	sld [smem:$0x3FA9]  }
0x2d: {  	s3 =	simm.s32 $0x108;
	s8 =	sld [smem:$0x3FAA]  }
0x2e: {  	s3 =	simm.s32 @!p0 $0x1082;
	s9 =	sld [smem:$0x3FAB]  }
0x2f: {  	lr =	sadd.s32 s0, s3;
	s0 =	sld [smem:$0x3FA2]  }
0x30: {  	s3 =	sld [smem:$0x3FA5]  }
0x31: {  	[smem:$0x3FAE] =	sst s10  }
0x32: {  	s10 =	sld [smem:$0x3FAC];
	_ =	sdelay $0x3  }
0x33: {  	p0 =	seq.s32 s10, $0x1;
	s10 =	sld [smem:$0x3FAE];
	_ =	sdelay $0x3  }
0x34: {  	[smem:$0x3FAE] =	sst s10  }
0x35: {  	s10 =	sld [smem:$0x3FAD];
	_ =	sdelay $0x3  }
0x36: {  	p1 =	seq.s32 s10, $0x1;
	s10 =	sld [smem:$0x3FAE];
	_ =	sdelay $0x3  }
0x37: {  	[smem:$0x3FAE] =	sst s10  }
0x38: {  	s10 =	sld [smem:$0x3FAF]  }
0x39: {  	_ = 	snop;
	(pc) =	sbr.ind lr, $3  }
0x3a: {  	_ = 	snop  }
0x3b: {  	_ = 	snop  }
0x3c: {  	p2 =	seq.s32 s10, $0x1;
	s10 =	sld [smem:$0x3FAE]  }
0x3d: {  	_ =	shalt  }
0x3e: {  	_ =	shalt  }
0x3f: {  	_ =	shalt  }
0x40: {  	_ =	shalt  }
0x41: {  	_ =	shalt  }
0x42: {  	_ =	shalt  }
0x43: {  	_ =	shalt  }
0x44: {  	_ =	shalt  }
0x45: {  	_ =	shalt  }
0x46: {  	_ =	shalt  }
0x47: {  	_ =	shalt  }
0x48: {  	_ =	shalt  }
0x49: {  	_ =	shalt  }
0x4a: {  	_ =	shalt  }
0x4b: {  	_ =	shalt  }
0x4c: {  	_ =	shalt  }
0x4d: {  	_ =	shalt  }
0x4e: {  	_ =	shalt  }
0x4f: {  	_ =	shalt  }
0x50: {  	_ =	shalt  }
0x51: {  	_ =	shalt  }
0x52: {  	_ =	shalt  }
0x53: {  	_ =	shalt  }
0x54: {  	_ =	shalt  }
0x55: {  	_ =	shalt  }
0x56: {  	_ =	shalt  }
0x57: {  	_ =	shalt  }
0x58: {  	_ =	shalt  }
0x59: {  	_ =	shalt  }
0x5a: {  	_ =	shalt  }
0x5b: {  	_ =	shalt  }
0x5c: {  	_ =	shalt  }
0x5d: {  	_ =	shalt  }
0x5e: {  	_ =	shalt  }
0x5f: {  	_ =	shalt  }
0x60: {  	_ =	shalt  }
0x61: {  	_ =	shalt  }
0x62: {  	_ =	shalt  }
0x63: {  	_ =	shalt  }
0x64: {  	_ =	shalt  }
0x65: {  	_ =	shalt  }
0x66: {  	_ =	shalt  }
0x67: {  	_ =	shalt  }
0x68: {  	_ =	shalt  }
0x69: {  	_ =	shalt  }
0x6a: {  	_ =	shalt  }
0x6b: {  	_ =	shalt  }
0x6c: {  	_ =	shalt  }
0x6d: {  	_ =	shalt  }
0x6e: {  	_ =	shalt  }
0x6f: {  	_ =	shalt  }
0x70: {  	_ =	shalt  }
0x71: {  	_ =	shalt  }
0x72: {  	_ =	shalt  }
0x73: {  	_ =	shalt  }
0x74: {  	_ =	shalt  }
0x75: {  	_ =	shalt  }
0x76: {  	_ =	shalt  }
0x77: {  	_ =	shalt  }
0x78: {  	_ =	shalt  }
0x79: {  	_ =	shalt  }
0x7a: {  	_ =	shalt  }
0x7b: {  	_ =	shalt  }
0x7c: {  	_ =	shalt  }
0x7d: {  	_ =	shalt  }
0x7e: {  	_ =	shalt  }
0x7f: {  	_ =	shalt  }
0x80: {  	_ =	shalt  }
0x81: {  	_ =	shalt  }
0x82: {  	_ =	shalt  }
0x83: {  	_ =	shalt  }
0x84: {  	_ =	shalt  }
0x85: {  	_ =	shalt  }
0x86: {  	_ =	shalt  }
0x87: {  	_ =	shalt  }
.Lfunc_end0:
.L_simem_size_0:
called_computation.1_lowered:
.L_overlay_start_0:
0x88: {  	s2 =	sld [smem:$0x3FD9]  }
0x89: {  	s3 =	sld [smem:$0x3FFE];
	_ =	sdelay $0x1  }
0x8a: {  	s1 =	srdreg.scid  }
0x8b: {  	s0 =	sand.u32 $0x1, s1  }
0x8c: {  	s17 =	sshll.u32 s0, $0xA;
	s2 =	sadd.s32 s3, s2  }
0x8d: {  	s2 =	sadd.s32 s2, s17  }
0x8e: {  	[smem:$0x3FBA] =	sst s2  }
0x8f: {  	_ = 	snop  }
0x90: {  	s2 =	sld [smem:$0x3FC9]  }
0x91: {  	s18 =	sld [smem:$0x3FD0];
	(tm) =	ssettm $0x1  }
0x92: {  	s4 =	sld [smem:$0x3FFB];
	_ =	sdelay $0x3  }
0x93: {  	_ =	strace s4  }
0x94: {  	s4 =	sld [smem:$0x3FFC];
	_ =	sdelay $0x3  }
0x95: {  	_ =	strace s4  }
0x96: {  	s4 =	sld [smem:$0x3FFD];
	_ =	sdelay $0x3  }
0x97: {  	_ =	strace s4  }
0x98: {  	_ =	strace $0x8FFFFFFF  }
0x99: {  	s19 =	sld [smem:$0x3FDB];
	_ =	sdelay $0x1  }
0x9a: {  	s5 =	simm.s32 $_scs_section_size  }
0x9b: {  	s6 =	simm.s32 $_size__tile_overlayer_lowered;
	s7 =	simm.s32 $_tile_overlayer_lowered  }
0x9c: {  	s22 =	simm.s32 $0x1BFF;
	s21 =	sshll.u32 s7, $0x1;
	s4 =	sadd.s32 s5, s19  }
0x9d: {  	s8 =	simm.s32 $0x0;
	s20 =	sshll.u32 s6, $0x1;
	s6 =	sadd.s32 s21, s4  }
0x9e: {  	[timem:s8], [sflag:s22] =	dma.local [hbm:s6], s20  }
0x9f: {  	_ =	swait.ge [sflag:s22], s20  }
0xa0: {  	s5 =	ssub.s32 $0x0, s20;
	[sflag:s22] =	ssyncset.done $0x0  }
0xa1: {  	[sflag:s22] =	ssyncadd.s32 s5;
	_ =	sdelay $0x1  }
0xa2: {  	s23 =	simm.s32 $0x1B8B  }
0xa3: {  	_ =	swait.ge [sflag:s23], $0x1  }
0xa4: {  	[sflag:s23] =	ssyncset.done $0x0  }
0xa5: {  	s25 =	simm.s32 $0x1B8E;
	s24 =	sld [smem:$0x3FFE];
	[sflag:s23] =	ssyncadd.s32 $0xFFFFFFFF  }
0xa6: {  	s26 =	simm.s32 $execute0_lowered;
	[smem:$0x3FD2] =	sst s25  }
0xa7: {  	s6 =	sshll.u32 s26, $0x1;
	_ =	strace $0x80000049;
	[dreg:$0x1] =	wrdreg $0xFFFFFFFF  }
0xa8: {  	s28 =	simm.s32 $_size_execute0_lowered;
	s4 =	sadd.s32 s4, s6;
	[dreg:$0x0] =	wrdreg $0x0  }
0xa9: {  	s6 =	sshll.u32 s28, $0x1;
	[dreg:$0x2] =	wrdreg s4  }
0xaa: {  	[dreg:$0x3] =	wrdreg s6  }
0xab: {  	[dreg:$0x4] =	wrdreg $0xC0  }
0xac: {  	_ =	task [dreg:s8], $0x5FFFF  }
0xad: {  	[dreg:$0x1] =	wrdreg $0xFFFFFFFF  }
0xae: {  	[dreg:$0x0] =	wrdreg $0x60  }
0xaf: {  	[dreg:$0x2] =	wrdreg s18  }
0xb0: {  	[dreg:$0x3] =	wrdreg s24  }
0xb1: {  	[dreg:$0x4] =	wrdreg s2  }
0xb2: {  	[dreg:$0x5] =	wrdreg $0x9  }
0xb3: {  	_ =	task.clear_ibuf [dreg:s8], $0x6FFFF;
	_ =	strace $0x90000049  }
0xb4: {  	s29 =	simm.s32 $0x9;
	_ =	strace $0x8000004B  }
0xb5: {  	_ =	swait.ge [sflag:s29], $0x1  }
0xb6: {  	[sflag:s29] =	ssyncadd.s32 $0xFFFFFFFF  }
0xb7: {  	_ =	strace $0x9000004B  }
0xb8: {  	_ =	sfence  }
0xb9: {  	s30 =	sld [smem:$0x0];
	_ =	sdelay $0x2  }
0xba: {  	s31 =	sshll.u32 s1, $0xD;
	s1 =	sshrl.u32 s1, $0x2  }
0xbb: {  	s3 =	sand.u32 $0x4000, s31;
	s1 =	sadd.s32 s1, s30  }
0xbc: {  	s0 =	sor.u32 s3, s0;
	s1 =	sshll.u32 s1, $0x11  }
0xbd: {  	s0 =	sor.u32 s1, s0  }
0xbe: {  	s0 =	sadd.s32 $0x8F2B, s0  }
0xbf: {  	[sflag:s0] =	ssyncadd.remote.s32 $0x1  }
0xc0: {  	_ =	sfence.sel $0xFFFF  }
0xc1: {  	[dreg:$0x0] =	wrdreg $0xFFFFFFFF;
	(pc) =	sbr.abs _section_cstart, $3  }
0xc2: {  	[dreg:$0x1] =	wrdreg $0xFFFFFFFF  }
0xc3: {  	_ =	task.clear_ibuf [dreg:s8], $0x2FFFF;
	_ =	strace $0x9FFFFFFF  }
0xc4: {  	(tm) =	ssettm $0x7FFFFFFF  }
0xc5: {  	_ =	shalt  }
tec
execute0_lowered:
.L_overlay_start_1:
0x0: {  	(tag) =	ssettag $0x1  }
0x1: {  	s5 =	rddreg [dreg:$0x0]  }
0x2: {  	s0 =	rddreg [dreg:$0x1];
	s2 =	srdreg.scid  }
0x3: {  	s6 =	rddreg [dreg:$0x2];
	s4 =	sand.u32 $0x1, s2;
	s2 =	simm.s32 $0x0  }
0x4: {  	s13 =	simm.s32 $0x880;
	[smem:$0x7FF] =	sst s2  }
0x5: {  	s14 =	simm.s32 $0x1080;
	_ =	strace $0x8000004A;
	[dreg:$0xc] =	wrdreg s13  }
0x6: {  	s15 =	simm.s32 $0x1880;
	[dreg:$0xd] =	wrdreg s14  }
0x7: {  	s16 =	simm.s32 $0x2080;
	[dreg:$0xe] =	wrdreg s15  }
0x8: {  	s17 =	simm.s32 $0x2880;
	[dreg:$0xf] =	wrdreg s16  }
0x9: {  	s1 =	stileid.u32;
	s18 =	simm.s32 $0x3080;
	[dreg:$0x10] =	wrdreg s17  }
0xa: {  	s19 =	simm.s32 $0x3880;
	s20 =	simm.s32 $0x4080;
	[dreg:$0x11] =	wrdreg s18  }
0xb: {  	s21 =	simm.s32 $0x4880;
	s22 =	simm.s32 $0x5080;
	[dreg:$0x12] =	wrdreg s19  }
0xc: {  	s28 =	simm.s32 $0x1A080;
	s29 =	simm.s32 $0x1A880;
	[dreg:$0x13] =	wrdreg s20  }
0xd: {  	s26 =	sshll.u32 s1, $0x4;
	s12 =	smul.u32 $0x3800, s1;
	[dreg:$0x14] =	wrdreg s21  }
0xe: {  	s10 =	sadd.s32 s26, s0;
	s26 =	simm.s32 $0x7080;
	[dreg:$0x15] =	wrdreg s22  }
0xf: {  	s7 =	sshll.u32 s1, $0xF;
	s1 =	simm.s32 $0x7880;
	[dreg:$0x19] =	wrdreg s26  }
0x10: {  	s30 =	simm.s32 $0x1B080;
	s5 =	sadd.s32 s5, s12;
	[dreg:$0x1a] =	wrdreg s1  }
0x11: {  	s31 =	simm.s32 $0x1B880;
	s12 =	simm.s32 $0xB080;
	[dreg:$0xb] =	wrdreg s5  }
0x12: {  	s3 =	sshll.u32 s4, $0x13;
	s13 =	simm.s32 $0xB880;
	[smem:$0x7F1] =	sst s12  }
0x13: {  	s11 =	sshll.u32 s4, $0x8;
	s14 =	simm.s32 $0xC080;
	[smem:$0x7F2] =	sst s13  }
0x14: {  	s4 =	ssub.s32 $0x2, s4;
	s15 =	simm.s32 $0xC880;
	[smem:$0x7F3] =	sst s14  }
0x15: {  	s7 =	sor.u32 s7, s3;
	s16 =	simm.s32 $0xD080;
	[smem:$0x7F4] =	sst s15  }
0x16: {  	s3 =	sadd.s32 $0x4DE00, s0;
	s17 =	simm.s32 $0xD880;
	[smem:$0x7F5] =	sst s16  }
0x17: {  	s18 =	sshrl.u32 s4, $0x1;
	s19 =	simm.s32 $0xE080;
	[smem:$0x7F6] =	sst s17  }
0x18: {  	s21 =	simm.s32 $0xE880;
	s22 =	simm.s32 $0xF080;
	[smem:$0x7F7] =	sst s19  }
0x19: {  	s26 =	simm.s32 $0x11080;
	s8 =	sadd.s32 s6, s7;
	[smem:$0x7F8] =	sst s21  }
0x1a: {  	s23 =	sadd.s32 s3, s7;
	s9 =	sor.u32 $0x3800, s7;
	[smem:$0x7F9] =	sst s22  }
0x1b: {  	s7 =	sor.u32 $0x7000, s7;
	s20 =	ssub.s32 s4, s18;
	[smem:$0x7FD] =	sst s26  }
0x1c: {  	s4 =	sadd.s32 $0x4DF00, s0;
	s5 =	sadd.s32 $0x4E000, s0;
	[dreg:$0x4] =	wrdreg s8  }
0x1d: {  	s12 =	simm.s32 $0x12880;
	[dreg:$0x5] =	wrdreg s23;
	s24 =	sadd.s32 s6, s9  }
0x1e: {  	s13 =	simm.s32 $0x13080;
	s25 =	sadd.s32 s3, s9;
	[dreg:$0x6] =	wrdreg s24  }
0x1f: {  	s14 =	simm.s32 $0x13880;
	s6 =	sadd.s32 s6, s7;
	[dreg:$0x7] =	wrdreg s25  }
0x20: {  	s15 =	simm.s32 $0x14080;
	s7 =	sadd.s32 s3, s7;
	[dreg:$0x8] =	wrdreg s6  }
0x21: {  	s16 =	simm.s32 $0x14880;
	s23 =	simm.s32 $0x5880;
	[dreg:$0x9] =	wrdreg s7  }
0x22: {  	s17 =	simm.s32 $0x15080;
	s8 =	simm.s32 $0x9080;
	[dreg:$0x16] =	wrdreg s23  }
0x23: {  	s18 =	simm.s32 $0x15880;
	s9 =	simm.s32 $0x9880;
	[dreg:$0x1d] =	wrdreg s8  }
0x24: {  	s19 =	simm.s32 $0x16080;
	s24 =	simm.s32 $0x6080;
	[dreg:$0x1e] =	wrdreg s9  }
0x25: {  	s21 =	simm.s32 $0x17080;
	s25 =	simm.s32 $0x6880;
	[dreg:$0x17] =	wrdreg s24  }
0x26: {  	s22 =	simm.s32 $0x17880;
	s7 =	simm.s32 $0x8880;
	[dreg:$0x18] =	wrdreg s25  }
0x27: {  	s6 =	sadd.s32 s11, s10;
	s10 =	simm.s32 $0xA080;
	[dreg:$0x1c] =	wrdreg s7  }
0x28: {  	s26 =	simm.s32 $0x19880;
	s11 =	simm.s32 $0xA880;
	[dreg:$0x1f] =	wrdreg s10  }
0x29: {  	s23 =	simm.s32 $0xF880;
	s8 =	simm.s32 $0x80;
	[smem:$0x7F0] =	sst s11  }
0x2a: {  	s9 =	simm.s32 $0x2;
	s6 =	sadd.s32 $0x4DC00, s6;
	[smem:$0x7FA] =	sst s23  }
0x2b: {  	s24 =	simm.s32 $0x10080;
	s7 =	smax.u32 s20, $0x1;
	s25 =	simm.s32 $0x10880  }
0x2c: {  	s11 =	simm.s32 $0x12080;
	s20 =	simm.s32 $0x16880;
	[dreg:$0xa] =	wrdreg s6  }
0x2d: {  	v2 =	vlaneseq.u32;
	s23 =	simm.s32 $0x18080;
	s6 =	simm.s32 $0x8080;
	[smem:$0x7FB] =	sst s24  }
0x2e: {  	vm0 =	vmmov $0xffff;
	v1 =	vshrl.u32 v2, $0x3;
	[smem:$0x7FC] =	sst s25;
	s24 =	simm.s32 $0x18880;
	s25 =	simm.s32 $0x19080  }
0x2f: {  	v0 =	vand.u32 $0x7, v2;
	v2 =	vor.u32 $0x8, v2;
	v1 =	vmul.u32 $0x8, v1;
	[dreg:$0x1b] =	wrdreg s6;
	s6 =	sadd.s32 $0x4E100, s0;
	s0 =	simm.s32 $0x1  }
.LBB2_1:
0x30: {  	s1 =	rddreg [dreg:$0x4]  }
0x31: {  	[tilespmem:s8], [sflag:$0x2] =	stream.linear.gather [hbm4b:s1+s2], $0x1C000, $0x38;
	[tilespmem:$0x1C080] =	vst v63  }
0x32: {  	_ =	swait.ge [sflag:s9], $0x1C000  }
0x33: {  	[sflag:s9] =	ssyncset.done $0x0  }
0x34: {  	s10 =	rddreg [dreg:$0x5];
	[sflag:s9] =	ssyncadd.s32 $0xFFFE4000  }
0x35: {  	[hbm4b:s10+s2] =	stream.linear.scatter [tilespmem:s8], [sflag:$0x2], $0x1C000, $0x38;
	[tilespmem:$0x1C080] =	vst v63  }
0x36: {  	_ =	swait.ge [sflag:s9], $0x1C000  }
0x37: {  	[sflag:s9] =	ssyncset.done $0x0  }
0x38: {  	s10 =	rddreg [dreg:$0x6];
	[sflag:s9] =	ssyncadd.s32 $0xFFFE4000  }
0x39: {  	[tilespmem:s8], [sflag:$0x2] =	stream.linear.gather [hbm4b:s10+s2], $0x1C000, $0x38;
	[tilespmem:$0x1C080] =	vst v63  }
0x3a: {  	_ =	swait.ge [sflag:s9], $0x1C000  }
0x3b: {  	[sflag:s9] =	ssyncset.done $0x0  }
0x3c: {  	s10 =	rddreg [dreg:$0x7];
	[sflag:s9] =	ssyncadd.s32 $0xFFFE4000  }
0x3d: {  	[hbm4b:s10+s2] =	stream.linear.scatter [tilespmem:s8], [sflag:$0x2], $0x1C000, $0x38;
	[tilespmem:$0x1C080] =	vst v63  }
0x3e: {  	_ =	swait.ge [sflag:s9], $0x1C000  }
0x3f: {  	[sflag:s9] =	ssyncset.done $0x0  }
0x40: {  	s10 =	rddreg [dreg:$0x8];
	[sflag:s9] =	ssyncadd.s32 $0xFFFE4000  }
0x41: {  	[tilespmem:s8], [sflag:$0x2] =	stream.linear.gather [hbm4b:s10+s2], $0x8000, $0x38;
	[tilespmem:$0x1C080] =	vst v63  }
0x42: {  	_ =	swait.ge [sflag:s9], $0x8000  }
0x43: {  	[sflag:s9] =	ssyncset.done $0x0  }
0x44: {  	s10 =	rddreg [dreg:$0x9];
	[sflag:s9] =	ssyncadd.s32 $0xFFFF8000  }
0x45: {  	[hbm4b:s10+s2] =	stream.linear.scatter [tilespmem:s8], [sflag:$0x2], $0x8000, $0x38;
	[tilespmem:$0x1C080] =	vst v63  }
0x46: {  	_ =	swait.ge [sflag:s9], $0x8000  }
0x47: {  	[sflag:s9] =	ssyncset.done $0x0  }
0x48: {  	[sflag:s9] =	ssyncadd.s32 $0xFFFF8000  }
0x49: {  	[bflag:$0x0] =	sbarrier.arrive $0xFFFF  }
0x4a: {  	s10 =	rddreg [dreg:$0xa]  }
0x4b: {  	[tilespmem:s2], [sflag:$0x2] =	stream.linear.gather [hbm4b:s10+s2], $0x80, $0x38;
	[tilespmem:$0x1C080] =	vst v63  }
0x4c: {  	_ =	swait.ge [sflag:s9], $0x80  }
0x4d: {  	[sflag:s9] =	ssyncset.done $0x0  }
0x4e: {  	s10 =	rddreg [dreg:$0xb];
	[sflag:s9] =	ssyncadd.s32 $0xFFFFFF80  }
0x4f: {  	[tilespmem:s8], [sflag:$0x2] =	stream.linear.gather [hbm4b:s10+s2], $0x1C000, $0x38;
	[tilespmem:$0x1C080] =	vst v63  }
0x50: {  	_ =	swait.ge [sflag:s9], $0x1C000  }
0x51: {  	[sflag:s9] =	ssyncset.done $0x0  }
0x52: {  	[sflag:s9] =	ssyncadd.s32 $0xFFFE4000  }
0x53: {  	v3 =	vld [tilespmem:$0x0];
	_ =	sdelay $0x4  }
0x54: {  	v4 =	vshll.u32 v3, $0x3  }
0x55: {  	v3 =	vand.u32 $0x7, v3;
	v4 =	vand.u32 $0xFFFFFFC0, v4  }
0x56: {  	v3 =	vor.u32 v3, v4  }
0x57: {  	v4 =	vperm.xlane v3, v0;
	_ =	sdelay $0x1  }
0x58: {  	v4 =	vadd.s32 v1, v4;
	_ =	sdelay $0x4  }
0x59: {  	[hbm4b:s3+s2] =	stream.indirect_vreg.scatter [tilespmem:s8], [sflag:$0x1], $0x80, v4, vm0, $0xb8;
	[tilespmem:$0x1C080] =	vst v63  }
0x5a: {  	s1 =	rddreg [dreg:$0xc];
	v3 =	vperm.xlane v3, v2  }
0x5b: {  	[hbm4b:s4+s2] =	stream.indirect_vreg.scatter [tilespmem:s1], [sflag:$0x1], $0x80, v4, vm0, $0xb8;
	[tilespmem:$0x1C080] =	vst v63  }
0x5c: {  	s10 =	rddreg [dreg:$0xd];
	v3 =	vadd.s32 v1, v3  }
0x5d: {  	[hbm4b:s5+s2] =	stream.indirect_vreg.scatter [tilespmem:s10], [sflag:$0x1], $0x80, v4, vm0, $0xb8;
	[tilespmem:$0x1C080] =	vst v63  }
0x5e: {  	s1 =	rddreg [dreg:$0xe]  }
0x5f: {  	[hbm4b:s6+s2] =	stream.indirect_vreg.scatter [tilespmem:s1], [sflag:$0x1], $0x80, v4, vm0, $0xb8;
	[tilespmem:$0x1C080] =	vst v63  }
0x60: {  	s10 =	rddreg [dreg:$0xf]  }
0x61: {  	[hbm4b:s3+s2] =	stream.indirect_vreg.scatter [tilespmem:s10], [sflag:$0x1], $0x80, v3, vm0, $0xb8;
	[tilespmem:$0x1C080] =	vst v63  }
0x62: {  	s1 =	rddreg [dreg:$0x10]  }
0x63: {  	[hbm4b:s4+s2] =	stream.indirect_vreg.scatter [tilespmem:s1], [sflag:$0x1], $0x80, v3, vm0, $0xb8;
	[tilespmem:$0x1C080] =	vst v63  }
0x64: {  	s10 =	rddreg [dreg:$0x11]  }
0x65: {  	[hbm4b:s5+s2] =	stream.indirect_vreg.scatter [tilespmem:s10], [sflag:$0x1], $0x80, v3, vm0, $0xb8;
	[tilespmem:$0x1C080] =	vst v63  }
0x66: {  	s1 =	rddreg [dreg:$0x12]  }
0x67: {  	[hbm4b:s6+s2] =	stream.indirect_vreg.scatter [tilespmem:s1], [sflag:$0x1], $0x80, v3, vm0, $0xb8;
	[tilespmem:$0x1C080] =	vst v63  }
0x68: {  	v3 =	vld [tilespmem:$0x10];
	_ =	sdelay $0x4  }
0x69: {  	v58 =	vshll.u32 v3, $0x3  }
0x6a: {  	v3 =	vand.u32 $0x7, v3;
	v4 =	vand.u32 $0xFFFFFFC0, v58  }
0x6b: {  	v3 =	vor.u32 v3, v4  }
0x6c: {  	v4 =	vperm.xlane v3, v0;
	_ =	sdelay $0x1  }
0x6d: {  	v4 =	vadd.s32 v1, v4;
	_ =	sdelay $0x3  }
0x6e: {  	s1 =	rddreg [dreg:$0x13]  }
0x6f: {  	[hbm4b:s3+s2] =	stream.indirect_vreg.scatter [tilespmem:s1], [sflag:$0x1], $0x80, v4, vm0, $0xb8;
	[tilespmem:$0x1C080] =	vst v63  }
0x70: {  	s10 =	rddreg [dreg:$0x14];
	v3 =	vperm.xlane v3, v2  }
0x71: {  	[hbm4b:s4+s2] =	stream.indirect_vreg.scatter [tilespmem:s10], [sflag:$0x1], $0x80, v4, vm0, $0xb8;
	[tilespmem:$0x1C080] =	vst v63  }
0x72: {  	v3 =	vadd.s32 v1, v3;
	s1 =	rddreg [dreg:$0x15]  }
0x73: {  	[hbm4b:s5+s2] =	stream.indirect_vreg.scatter [tilespmem:s1], [sflag:$0x1], $0x80, v4, vm0, $0xb8;
	[tilespmem:$0x1C080] =	vst v63  }
0x74: {  	s10 =	rddreg [dreg:$0x16]  }
0x75: {  	[hbm4b:s6+s2] =	stream.indirect_vreg.scatter [tilespmem:s10], [sflag:$0x1], $0x80, v4, vm0, $0xb8;
	[tilespmem:$0x1C080] =	vst v63  }
0x76: {  	s1 =	rddreg [dreg:$0x17]  }
0x77: {  	[hbm4b:s3+s2] =	stream.indirect_vreg.scatter [tilespmem:s1], [sflag:$0x1], $0x80, v3, vm0, $0xb8;
	[tilespmem:$0x1C080] =	vst v63  }
0x78: {  	s10 =	rddreg [dreg:$0x18]  }
0x79: {  	[hbm4b:s4+s2] =	stream.indirect_vreg.scatter [tilespmem:s10], [sflag:$0x1], $0x80, v3, vm0, $0xb8;
	[tilespmem:$0x1C080] =	vst v63  }
0x7a: {  	s1 =	rddreg [dreg:$0x19]  }
0x7b: {  	[hbm4b:s5+s2] =	stream.indirect_vreg.scatter [tilespmem:s1], [sflag:$0x1], $0x80, v3, vm0, $0xb8;
	[tilespmem:$0x1C080] =	vst v63  }
0x7c: {  	s10 =	rddreg [dreg:$0x1a]  }
0x7d: {  	[hbm4b:s6+s2] =	stream.indirect_vreg.scatter [tilespmem:s10], [sflag:$0x1], $0x80, v3, vm0, $0xb8;
	[tilespmem:$0x1C080] =	vst v63  }
0x7e: {  	v3 =	vld [tilespmem:$0x20];
	_ =	sdelay $0x4  }
0x7f: {  	v59 =	vshll.u32 v3, $0x3  }
0x80: {  	v3 =	vand.u32 $0x7, v3;
	v4 =	vand.u32 $0xFFFFFFC0, v59  }
0x81: {  	v3 =	vor.u32 v3, v4  }
0x82: {  	v4 =	vperm.xlane v3, v0;
	_ =	sdelay $0x1  }
0x83: {  	v4 =	vadd.s32 v1, v4;
	_ =	sdelay $0x2  }
0x84: {  	s1 =	rddreg [dreg:$0x1b]  }
0x85: {  	s10 =	rddreg [dreg:$0x1c]  }
0x86: {  	[hbm4b:s3+s2] =	stream.indirect_vreg.scatter [tilespmem:s1], [sflag:$0x1], $0x80, v4, vm0, $0xb8;
	[tilespmem:$0x1C080] =	vst v63  }
0x87: {  	v3 =	vperm.xlane v3, v2;
	s1 =	rddreg [dreg:$0x1d]  }
0x88: {  	[hbm4b:s4+s2] =	stream.indirect_vreg.scatter [tilespmem:s10], [sflag:$0x1], $0x80, v4, vm0, $0xb8;
	[tilespmem:$0x1C080] =	vst v63  }
0x89: {  	v3 =	vadd.s32 v1, v3;
	s10 =	rddreg [dreg:$0x1e]  }
0x8a: {  	[hbm4b:s5+s2] =	stream.indirect_vreg.scatter [tilespmem:s1], [sflag:$0x1], $0x80, v4, vm0, $0xb8;
	[tilespmem:$0x1C080] =	vst v63  }
0x8b: {  	s1 =	rddreg [dreg:$0x1f]  }
0x8c: {  	[hbm4b:s6+s2] =	stream.indirect_vreg.scatter [tilespmem:s10], [sflag:$0x1], $0x80, v4, vm0, $0xb8;
	[tilespmem:$0x1C080] =	vst v63  }
0x8d: {  	s10 =	sld [smem:$0x7F0]  }
0x8e: {  	[hbm4b:s3+s2] =	stream.indirect_vreg.scatter [tilespmem:s1], [sflag:$0x1], $0x80, v3, vm0, $0xb8;
	[tilespmem:$0x1C080] =	vst v63  }
0x8f: {  	s1 =	sld [smem:$0x7F1]  }
0x90: {  	[hbm4b:s4+s2] =	stream.indirect_vreg.scatter [tilespmem:s10], [sflag:$0x1], $0x80, v3, vm0, $0xb8;
	[tilespmem:$0x1C080] =	vst v63  }
0x91: {  	s10 =	sld [smem:$0x7F2]  }
0x92: {  	[hbm4b:s5+s2] =	stream.indirect_vreg.scatter [tilespmem:s1], [sflag:$0x1], $0x80, v3, vm0, $0xb8;
	[tilespmem:$0x1C080] =	vst v63  }
0x93: {  	_ = 	snop  }
0x94: {  	[hbm4b:s6+s2] =	stream.indirect_vreg.scatter [tilespmem:s10], [sflag:$0x1], $0x80, v3, vm0, $0xb8;
	[tilespmem:$0x1C080] =	vst v63  }
0x95: {  	v3 =	vld [tilespmem:$0x30];
	_ =	sdelay $0x4  }
0x96: {  	v60 =	vshll.u32 v3, $0x3  }
0x97: {  	v3 =	vand.u32 $0x7, v3;
	v4 =	vand.u32 $0xFFFFFFC0, v60  }
0x98: {  	v3 =	vor.u32 v3, v4  }
0x99: {  	v4 =	vperm.xlane v3, v0;
	_ =	sdelay $0x1  }
0x9a: {  	v4 =	vadd.s32 v1, v4;
	_ =	sdelay $0x1  }
0x9b: {  	s1 =	sld [smem:$0x7F3];
	_ =	sdelay $0x1  }
0x9c: {  	s10 =	sld [smem:$0x7F4]  }
0x9d: {  	[hbm4b:s3+s2] =	stream.indirect_vreg.scatter [tilespmem:s1], [sflag:$0x1], $0x80, v4, vm0, $0xb8;
	[tilespmem:$0x1C080] =	vst v63  }
0x9e: {  	v3 =	vperm.xlane v3, v2;
	s1 =	sld [smem:$0x7F5]  }
0x9f: {  	[hbm4b:s4+s2] =	stream.indirect_vreg.scatter [tilespmem:s10], [sflag:$0x1], $0x80, v4, vm0, $0xb8;
	[tilespmem:$0x1C080] =	vst v63  }
0xa0: {  	v3 =	vadd.s32 v1, v3;
	s10 =	sld [smem:$0x7F6]  }
0xa1: {  	[hbm4b:s5+s2] =	stream.indirect_vreg.scatter [tilespmem:s1], [sflag:$0x1], $0x80, v4, vm0, $0xb8;
	[tilespmem:$0x1C080] =	vst v63  }
0xa2: {  	s1 =	sld [smem:$0x7F7]  }
0xa3: {  	[hbm4b:s6+s2] =	stream.indirect_vreg.scatter [tilespmem:s10], [sflag:$0x1], $0x80, v4, vm0, $0xb8;
	[tilespmem:$0x1C080] =	vst v63  }
0xa4: {  	s10 =	sld [smem:$0x7F8]  }
0xa5: {  	[hbm4b:s3+s2] =	stream.indirect_vreg.scatter [tilespmem:s1], [sflag:$0x1], $0x80, v3, vm0, $0xb8;
	[tilespmem:$0x1C080] =	vst v63  }
0xa6: {  	s1 =	sld [smem:$0x7F9]  }
0xa7: {  	[hbm4b:s4+s2] =	stream.indirect_vreg.scatter [tilespmem:s10], [sflag:$0x1], $0x80, v3, vm0, $0xb8;
	[tilespmem:$0x1C080] =	vst v63  }
0xa8: {  	s10 =	sld [smem:$0x7FA]  }
0xa9: {  	[hbm4b:s5+s2] =	stream.indirect_vreg.scatter [tilespmem:s1], [sflag:$0x1], $0x80, v3, vm0, $0xb8;
	[tilespmem:$0x1C080] =	vst v63  }
0xaa: {  	_ = 	snop  }
0xab: {  	[hbm4b:s6+s2] =	stream.indirect_vreg.scatter [tilespmem:s10], [sflag:$0x1], $0x80, v3, vm0, $0xb8;
	[tilespmem:$0x1C080] =	vst v63  }
0xac: {  	v3 =	vld [tilespmem:$0x40];
	_ =	sdelay $0x4  }
0xad: {  	v61 =	vshll.u32 v3, $0x3  }
0xae: {  	v3 =	vand.u32 $0x7, v3;
	v4 =	vand.u32 $0xFFFFFFC0, v61  }
0xaf: {  	v3 =	vor.u32 v3, v4  }
0xb0: {  	v4 =	vperm.xlane v3, v0;
	_ =	sdelay $0x1  }
0xb1: {  	v4 =	vadd.s32 v1, v4;
	_ =	sdelay $0x1  }
0xb2: {  	s1 =	sld [smem:$0x7FB];
	_ =	sdelay $0x1  }
0xb3: {  	s10 =	sld [smem:$0x7FC]  }
0xb4: {  	[hbm4b:s3+s2] =	stream.indirect_vreg.scatter [tilespmem:s1], [sflag:$0x1], $0x80, v4, vm0, $0xb8;
	[tilespmem:$0x1C080] =	vst v63  }
0xb5: {  	v3 =	vperm.xlane v3, v2;
	s1 =	sld [smem:$0x7FD]  }
0xb6: {  	[hbm4b:s4+s2] =	stream.indirect_vreg.scatter [tilespmem:s10], [sflag:$0x1], $0x80, v4, vm0, $0xb8;
	[tilespmem:$0x1C080] =	vst v63  }
0xb7: {  	v3 =	vadd.s32 v1, v3  }
0xb8: {  	[hbm4b:s5+s2] =	stream.indirect_vreg.scatter [tilespmem:s1], [sflag:$0x1], $0x80, v4, vm0, $0xb8;
	[tilespmem:$0x1C080] =	vst v63  }
0xb9: {  	s10 =	simm.s32 $0x11880  }
0xba: {  	[hbm4b:s6+s2] =	stream.indirect_vreg.scatter [tilespmem:s10], [sflag:$0x1], $0x80, v4, vm0, $0xb8;
	[tilespmem:$0x1C080] =	vst v63  }
0xbb: {  	_ = 	snop  }
0xbc: {  	[hbm4b:s3+s2] =	stream.indirect_vreg.scatter [tilespmem:s11], [sflag:$0x1], $0x80, v3, vm0, $0xb8;
	[tilespmem:$0x1C080] =	vst v63  }
0xbd: {  	_ = 	snop  }
0xbe: {  	[hbm4b:s4+s2] =	stream.indirect_vreg.scatter [tilespmem:s12], [sflag:$0x1], $0x80, v3, vm0, $0xb8;
	[tilespmem:$0x1C080] =	vst v63  }
0xbf: {  	_ = 	snop  }
0xc0: {  	[hbm4b:s5+s2] =	stream.indirect_vreg.scatter [tilespmem:s13], [sflag:$0x1], $0x80, v3, vm0, $0xb8;
	[tilespmem:$0x1C080] =	vst v63  }
0xc1: {  	_ = 	snop  }
0xc2: {  	[hbm4b:s6+s2] =	stream.indirect_vreg.scatter [tilespmem:s14], [sflag:$0x1], $0x80, v3, vm0, $0xb8;
	[tilespmem:$0x1C080] =	vst v63  }
0xc3: {  	v3 =	vld [tilespmem:$0x50];
	_ =	sdelay $0x4  }
0xc4: {  	v62 =	vshll.u32 v3, $0x3  }
0xc5: {  	v3 =	vand.u32 $0x7, v3;
	v4 =	vand.u32 $0xFFFFFFC0, v62  }
0xc6: {  	v3 =	vor.u32 v3, v4  }
0xc7: {  	v4 =	vperm.xlane v3, v0;
	_ =	sdelay $0x1  }
0xc8: {  	v4 =	vadd.s32 v1, v4;
	_ =	sdelay $0x4  }
0xc9: {  	[hbm4b:s3+s2] =	stream.indirect_vreg.scatter [tilespmem:s15], [sflag:$0x1], $0x80, v4, vm0, $0xb8;
	[tilespmem:$0x1C080] =	vst v63  }
0xca: {  	v3 =	vperm.xlane v3, v2  }
0xcb: {  	[hbm4b:s4+s2] =	stream.indirect_vreg.scatter [tilespmem:s16], [sflag:$0x1], $0x80, v4, vm0, $0xb8;
	[tilespmem:$0x1C080] =	vst v63  }
0xcc: {  	v3 =	vadd.s32 v1, v3  }
0xcd: {  	[hbm4b:s5+s2] =	stream.indirect_vreg.scatter [tilespmem:s17], [sflag:$0x1], $0x80, v4, vm0, $0xb8;
	[tilespmem:$0x1C080] =	vst v63  }
0xce: {  	_ = 	snop  }
0xcf: {  	[hbm4b:s6+s2] =	stream.indirect_vreg.scatter [tilespmem:s18], [sflag:$0x1], $0x80, v4, vm0, $0xb8;
	[tilespmem:$0x1C080] =	vst v63  }
0xd0: {  	_ = 	snop  }
0xd1: {  	[hbm4b:s3+s2] =	stream.indirect_vreg.scatter [tilespmem:s19], [sflag:$0x1], $0x80, v3, vm0, $0xb8;
	[tilespmem:$0x1C080] =	vst v63  }
0xd2: {  	_ = 	snop  }
0xd3: {  	[hbm4b:s4+s2] =	stream.indirect_vreg.scatter [tilespmem:s20], [sflag:$0x1], $0x80, v3, vm0, $0xb8;
	[tilespmem:$0x1C080] =	vst v63  }
0xd4: {  	_ = 	snop  }
0xd5: {  	[hbm4b:s5+s2] =	stream.indirect_vreg.scatter [tilespmem:s21], [sflag:$0x1], $0x80, v3, vm0, $0xb8;
	[tilespmem:$0x1C080] =	vst v63  }
0xd6: {  	_ = 	snop  }
0xd7: {  	[hbm4b:s6+s2] =	stream.indirect_vreg.scatter [tilespmem:s22], [sflag:$0x1], $0x80, v3, vm0, $0xb8;
	[tilespmem:$0x1C080] =	vst v63  }
0xd8: {  	v3 =	vld [tilespmem:$0x60];
	_ =	sdelay $0x4  }
0xd9: {  	v63 =	vshll.u32 v3, $0x3  }
0xda: {  	v3 =	vand.u32 $0x7, v3;
	v4 =	vand.u32 $0xFFFFFFC0, v63  }
0xdb: {  	v3 =	vor.u32 v3, v4  }
0xdc: {  	v4 =	vperm.xlane v3, v0;
	_ =	sdelay $0x1  }
0xdd: {  	v4 =	vadd.s32 v1, v4;
	_ =	sdelay $0x4  }
0xde: {  	[hbm4b:s3+s2] =	stream.indirect_vreg.scatter [tilespmem:s23], [sflag:$0x1], $0x80, v4, vm0, $0xb8;
	[tilespmem:$0x1C080] =	vst v63  }
0xdf: {  	v3 =	vperm.xlane v3, v2  }
0xe0: {  	[hbm4b:s4+s2] =	stream.indirect_vreg.scatter [tilespmem:s24], [sflag:$0x1], $0x80, v4, vm0, $0xb8;
	[tilespmem:$0x1C080] =	vst v63  }
0xe1: {  	v3 =	vadd.s32 v1, v3  }
0xe2: {  	[hbm4b:s5+s2] =	stream.indirect_vreg.scatter [tilespmem:s25], [sflag:$0x1], $0x80, v4, vm0, $0xb8;
	[tilespmem:$0x1C080] =	vst v63  }
0xe3: {  	_ = 	snop  }
0xe4: {  	[hbm4b:s6+s2] =	stream.indirect_vreg.scatter [tilespmem:s26], [sflag:$0x1], $0x80, v4, vm0, $0xb8;
	[tilespmem:$0x1C080] =	vst v63  }
0xe5: {  	_ = 	snop  }
0xe6: {  	[hbm4b:s3+s2] =	stream.indirect_vreg.scatter [tilespmem:s28], [sflag:$0x1], $0x80, v3, vm0, $0xb8;
	[tilespmem:$0x1C080] =	vst v63  }
0xe7: {  	_ = 	snop  }
0xe8: {  	[hbm4b:s4+s2] =	stream.indirect_vreg.scatter [tilespmem:s29], [sflag:$0x1], $0x80, v3, vm0, $0xb8;
	[tilespmem:$0x1C080] =	vst v63  }
0xe9: {  	p0 =	sne.s32 s7, $0x1  }
0xea: {  	[hbm4b:s5+s2] =	stream.indirect_vreg.scatter [tilespmem:s30], [sflag:$0x1], $0x80, v3, vm0, $0xb8;
	[tilespmem:$0x1C080] =	vst v63  }
.Ltmp0:
0xeb: {  	_ = 	snop;
	(pc) =	sbr.rel @p0 .LBB2_1-.Ltmp0, $4  }
0xec: {  	[hbm4b:s6+s2] =	stream.indirect_vreg.scatter [tilespmem:s31], [sflag:$0x1], $0x80, v3, vm0, $0xb8;
	[tilespmem:$0x1C080] =	vst v63  }
0xed: {  	_ =	swait.ge [sflag:s0], $0x1C000  }
0xee: {  	[sflag:s0] =	ssyncset.done $0x0  }
0xef: {  	s7 =	sadd.s32 $0xFFFFFFFF, s7;
	[sflag:s0] =	ssyncadd.s32 $0xFFFE4000  }
0xf0: {  	_ =	sfence.sel $0x180000  }
0xf1: {  	[bflag:$0x0] =	sbarrier.arrive $0xFFFF  }
0xf2: {  	_ =	strace $0x9000004A  }
0xf3: {  	s0 =	stileid.u32;
	[bflag:$0x2] =	sbarrier.arrive $0xFFFF  }
0xf4: {  	p0 =	sne.s32 s0, $0x0;
	s0 =	rddreg [dreg:$0x3]  }
0xf5: {  	s0 =	sadd.s32 @!p0 $0x100000, s0  }
0xf6: {  	[sflag:s0] =	ssyncadd.tile.s32 @!p0 $0x1;
	_ =	shalt  }
.Lfunc_end2:
_tile_overlayer_lowered:
.L_overlay_start_2:
0xf7: {  	(tag) =	ssettag $0x2  }
0xf8: {  	s0 =	rddreg [dreg:$0x0];
	s2 =	stileid.u32  }
0xf9: {  	s1 =	rddreg [dreg:$0x1];
	p0 =	sne.s32 s2, $0x0  }
0xfa: {  	s3 =	rddreg [dreg:$0x2];
	[bflag:$0x3] =	sbarrier.arrive $0xFFFF;
	s2 =	simm.s32 @!p0 $0x1C02  }
0xfb: {  	[timem:s3], [sflag:s2] =	dma.local @!p0 [hbm:s0], s1  }
0xfc: {  	s0 =	simm.s32 @!p0 $0x2  }
0xfd: {  	_ =	swait.ge @!p0 [sflag:s0], s1  }
0xfe: {  	s1 =	ssub.s32 @!p0 $0x0, s1;
	[sflag:s0] =	ssyncset.done @!p0 $0x0  }
0xff: {  	[sflag:s0] =	ssyncadd.s32 @!p0 s1  }
0x100: {  	[bflag:$0x3] =	sbarrier.arrive $0xFFFF  }
0x101: {  	_ =	shalt  }

</sc_bundles>
